<compile_context>
chip_gen: v7x
topology: tpu7x:2x2x1
jax: 0.10.2.dev20260603
libtpu: 0.0.44.dev20260713+nightly
codegen_flags: <defaults>
</compile_context>

<pallas_src>
import functools

import jax
import jax.numpy as jnp
from jax import lax
from jax.experimental import pallas as pl
from jax.experimental.pallas import tpu as pltpu
from jax.experimental.pallas import tpu_sc as plsc

N_V = 100004
N_D = 128
BATCH = 4096
HIST = 50

_B = BATCH * HIST
_NC = 2
_NS = 16
_NW = _NC * _NS
_CB = BATCH // _NW
_NCHUNK = HIST
_NBUF = 5
_K = 3
_NOUTER = _NCHUNK // _NBUF


@functools.partial(
    pl.kernel,
    out_type=jax.ShapeDtypeStruct((_B, N_D), jnp.float32),
    mesh=plsc.VectorSubcoreMesh(core_axis_name="c", subcore_axis_name="s"),
    scratch_types=[
        pltpu.VMEM((_NCHUNK, _CB), jnp.int32),
        pltpu.VMEM((_NBUF, _CB, N_D), jnp.float32),
    ]
    + [pltpu.SemaphoreType.DMA] * (2 * _NBUF),
)
def _gather_kernel(table_hbm, idx_hbm, out_hbm, idx_v, rows_v, *sems):
    gsem = sems[:_NBUF]
    ssem = sems[_NBUF:]
    wid = lax.axis_index("s") * _NC + lax.axis_index("c")
    col = wid * _CB
    pltpu.sync_copy(idx_hbm.at[:, pl.ds(col, _CB)], idx_v)

    def g_copy(h, b):
        return pltpu.make_async_copy(
            table_hbm.at[idx_v.at[h]], rows_v.at[b], gsem[b]
        )

    def s_copy(h, b):
        off = pl.multiple_of(h * BATCH + col, _CB)
        return pltpu.make_async_copy(
            rows_v.at[b], out_hbm.at[pl.ds(off, _CB)], ssem[b]
        )

    for j in range(_K):
        g_copy(j, j).start()

    for b in range(_NBUF):
        i = b
        if i - (_NBUF - _K) >= 0:
            s_copy(i - (_NBUF - _K), (i + _K) % _NBUF).wait()
        g_copy(i + _K, (i + _K) % _NBUF).start()
        g_copy(i, b).wait()
        s_copy(i, b).start()

    def outer_body(o, carry):
        for b in range(_NBUF):
            i = o * _NBUF + b
            s_copy(i - (_NBUF - _K), (b + _K) % _NBUF).wait()
            g_copy(i + _K, (b + _K) % _NBUF).start()
            g_copy(i, b).wait()
            s_copy(i, b).start()
        return carry

    lax.fori_loop(1, _NOUTER - 1, outer_body, 0)

    for b in range(_NBUF):
        i = _NCHUNK - _NBUF + b
        s_copy(i - (_NBUF - _K), (i + _K) % _NBUF).wait()
        if i + _K < _NCHUNK:
            g_copy(i + _K, (i + _K) % _NBUF).start()
        g_copy(i, b).wait()
        s_copy(i, b).start()

    for j in range(_NBUF - _K):
        i = _NCHUNK - (_NBUF - _K) + j
        s_copy(i, i % _NBUF).wait()


def kernel(input, weight):
    idx_t = input.astype(jnp.int32).T
    out = _gather_kernel(weight, idx_t)
    return out.reshape(HIST, BATCH, N_D).transpose(1, 0, 2)

# --- scband reference (transcript-rebuilt; emitter-appended) ---
"""Pipeline reference for scband-glove-embedding-10651518894713 (READ-ONLY COPY).

The authoritative reference and input builder live on the scoring server;
editing this copy changes nothing except your own understanding.
"""

import jax, jax.numpy as jnp
import numpy as np

N_V = 100004  # vocab (100000) + 4 special tokens, as in init_word_table
N_D = 128
BATCH = 4096
HIST = 50

def setup_inputs(seed: int = 0) -> dict:
    key = jax.random.key(seed)
    k_idx, k_w = jax.random.split(key)
    # word indices into the embedding table
    inp = jax.random.randint(k_idx, (BATCH, HIST), 0, N_V - 4, dtype=jnp.int64)
    # embedding weight: uniform(-1, 1) init, mimicking embedding.weight.data.uniform_(-1, 1)
    # then overwritten by the (random-in-this-harness) glove word table
    weight = jax.random.uniform(k_w, (N_V, N_D), dtype=jnp.float32, minval=-1.0, maxval=1.0)
    return {"input": inp, "weight": weight}

def reference(input, weight):
    # forward: self.embedding(input) == row gather from the embedding table
    return jnp.take(weight, input, axis=0)

if __name__ == "__main__":
    import jax
    _d = setup_inputs()
    print(jax.jit(kernel)(*tuple(_d.values())))

</pallas_src>

<mosaic_0001>
#map = affine_map<(d0, d1) -> (0, 0)>
module attributes {stable_mosaic.version = 14 : i64} {
  func.func @_gather_kernel(%arg0: i32, %arg1: i32, %arg2: memref<100004x128xf32, #tpu.memory_space<hbm>>, %arg3: memref<50x4096xi32, #tpu.memory_space<hbm>>, %arg4: memref<204800x128xf32, #tpu.memory_space<hbm>>, %arg5: memref<50x128xi32, #tpu.memory_space<vmem>>, %arg6: memref<5x128x128xf32, #tpu.memory_space<vmem>>, %arg7: memref<!tpu.dma_semaphore, #tpu.memory_space<semaphore_mem>>, %arg8: memref<!tpu.dma_semaphore, #tpu.memory_space<semaphore_mem>>, %arg9: memref<!tpu.dma_semaphore, #tpu.memory_space<semaphore_mem>>, %arg10: memref<!tpu.dma_semaphore, #tpu.memory_space<semaphore_mem>>, %arg11: memref<!tpu.dma_semaphore, #tpu.memory_space<semaphore_mem>>, %arg12: memref<!tpu.dma_semaphore, #tpu.memory_space<semaphore_mem>>, %arg13: memref<!tpu.dma_semaphore, #tpu.memory_space<semaphore_mem>>, %arg14: memref<!tpu.dma_semaphore, #tpu.memory_space<semaphore_mem>>, %arg15: memref<!tpu.dma_semaphore, #tpu.memory_space<semaphore_mem>>, %arg16: memref<!tpu.dma_semaphore, #tpu.memory_space<semaphore_mem>>) attributes {dimension_semantics = [#tpu.dimension_semantics<core_parallel>, #tpu.dimension_semantics<subcore_parallel>], iteration_bounds = array<i64: 2, 16>, scalar_prefetch = 0 : i64, scratch_operands = 12 : i64, tpu.core_type = #tpu.core_type<sc_vector_subcore>, window_params = [{transform_indices = #map}, {transform_indices = #map}, {transform_indices = #map}]} {
    %mul3A = arith.constant 2 : i32
    %mul3A_0 = arith.muli %arg1, %mul3A : i32
    %add3A = arith.addi %mul3A_0, %arg0 : i32
    %mul3A_1 = arith.constant 128 : i32
    %mul3A_2 = arith.muli %add3A, %mul3A_1 : i32
    "tpu.region"() ({
      %run_scoped3A = tpu.sem_alloc : memref<!tpu.dma_semaphore, #tpu.memory_space<semaphore_mem>>
      %dma_start3A_565 = arith.constant 0 : i32
      %dma_start3A_566 = tpu.memref_slice %arg3[%dma_start3A_565, %mul3A_2] : memref<50x4096xi32, #tpu.memory_space<hbm>> -> memref<50x128xi32, #tpu.memory_space<hbm>>
      %dma_start3A_567 = arith.constant 0 : i32
      %dma_start3A_568 = tpu.memref_slice %arg3[%dma_start3A_567, %mul3A_2] : memref<50x4096xi32, #tpu.memory_space<hbm>> -> memref<50x128xi32, #tpu.memory_space<hbm>>
      tpu.enqueue_dma source(%dma_start3A_568 : memref<50x128xi32, #tpu.memory_space<hbm>>) target(%arg5 : memref<50x128xi32, #tpu.memory_space<vmem>>) target_semaphore(%run_scoped3A : memref<!tpu.dma_semaphore, #tpu.memory_space<semaphore_mem>>)
      %dma_wait3A_569 = arith.constant 0 : i32
      %dma_wait3A_570 = tpu.memref_slice %arg3[%dma_wait3A_569, %mul3A_2] : memref<50x4096xi32, #tpu.memory_space<hbm>> -> memref<50x128xi32, #tpu.memory_space<hbm>>
      %dma_wait3A_571 = arith.constant 0 : i32
      %dma_wait3A_572 = tpu.memref_slice %arg3[%dma_wait3A_571, %mul3A_2] : memref<50x4096xi32, #tpu.memory_space<hbm>> -> memref<50x128xi32, #tpu.memory_space<hbm>>
      tpu.wait_dma2 semaphore(%run_scoped3A : memref<!tpu.dma_semaphore, #tpu.memory_space<semaphore_mem>>) src(%dma_wait3A_572 : memref<50x128xi32, #tpu.memory_space<hbm>>) dst(%arg5 : memref<50x128xi32, #tpu.memory_space<vmem>>)
      tpu.yield
    }) : () -> ()
    %dma_start3A = arith.constant 0 : i32
    %dma_start3A_3 = arith.constant 0 : i32
    %dma_start3A_4 = arith.constant 0 : i32
    %dma_start3A_5 = arith.constant 0 : i32
    %dma_start3A_6 = tpu.memref_slice %arg6[%dma_start3A_3, %dma_start3A_4, %dma_start3A_5] : memref<5x128x128xf32, #tpu.memory_space<vmem>> -> memref<1x128x128xf32, #tpu.memory_space<vmem>>
    %dma_start3A_7 = tpu.memref_squeeze %dma_start3A_6 : memref<1x128x128xf32, #tpu.memory_space<vmem>> -> memref<128x128xf32, #tpu.memory_space<vmem>>
    %dma_start3A_8 = arith.constant 0 : i32
    %dma_start3A_9 = tpu.memref_slice %arg5[%dma_start3A, %dma_start3A_8] : memref<50x128xi32, #tpu.memory_space<vmem>> -> memref<1x128xi32, #tpu.memory_space<vmem>>
    %dma_start3A_10 = tpu.memref_squeeze %dma_start3A_9 : memref<1x128xi32, #tpu.memory_space<vmem>> -> memref<128xi32, #tpu.memory_space<vmem>>
    %dma_start3A_11 = arith.constant 0 : i32
    %dma_start3A_12 = arith.constant 0 : i32
    %dma_start3A_13 = tpu.memref_slice %arg2[%dma_start3A_11, %dma_start3A_12] : memref<100004x128xf32, #tpu.memory_space<hbm>> -> memref<100004x128xf32, #tpu.memory_space<hbm>>
    tpu.enqueue_indirect_dma source(%dma_start3A_13 : memref<100004x128xf32, #tpu.memory_space<hbm>>) target(%dma_start3A_7 : memref<128x128xf32, #tpu.memory_space<vmem>>) offsets(%dma_start3A_10 : memref<128xi32, #tpu.memory_space<vmem>>) semaphore(%arg7 : memref<!tpu.dma_semaphore, #tpu.memory_space<semaphore_mem>>)
    %dma_start3A_14 = arith.constant 1 : i32
    %dma_start3A_15 = arith.constant 1 : i32
    %dma_start3A_16 = arith.constant 0 : i32
    %dma_start3A_17 = arith.constant 0 : i32
    %dma_start3A_18 = tpu.memref_slice %arg6[%dma_start3A_15, %dma_start3A_16, %dma_start3A_17] : memref<5x128x128xf32, #tpu.memory_space<vmem>> -> memref<1x128x128xf32, #tpu.memory_space<vmem>>
    %dma_start3A_19 = tpu.memref_squeeze %dma_start3A_18 : memref<1x128x128xf32, #tpu.memory_space<vmem>> -> memref<128x128xf32, #tpu.memory_space<vmem>>
    %dma_start3A_20 = arith.constant 0 : i32
    %dma_start3A_21 = tpu.memref_slice %arg5[%dma_start3A_14, %dma_start3A_20] : memref<50x128xi32, #tpu.memory_space<vmem>> -> memref<1x128xi32, #tpu.memory_space<vmem>>
    %dma_start3A_22 = tpu.memref_squeeze %dma_start3A_21 : memref<1x128xi32, #tpu.memory_space<vmem>> -> memref<128xi32, #tpu.memory_space<vmem>>
    %dma_start3A_23 = arith.constant 0 : i32
    %dma_start3A_24 = arith.constant 0 : i32
    %dma_start3A_25 = tpu.memref_slice %arg2[%dma_start3A_23, %dma_start3A_24] : memref<100004x128xf32, #tpu.memory_space<hbm>> -> memref<100004x128xf32, #tpu.memory_space<hbm>>
    tpu.enqueue_indirect_dma source(%dma_start3A_25 : memref<100004x128xf32, #tpu.memory_space<hbm>>) target(%dma_start3A_19 : memref<128x128xf32, #tpu.memory_space<vmem>>) offsets(%dma_start3A_22 : memref<128xi32, #tpu.memory_space<vmem>>) semaphore(%arg8 : memref<!tpu.dma_semaphore, #tpu.memory_space<semaphore_mem>>)
    %dma_start3A_26 = arith.constant 2 : i32
    %dma_start3A_27 = arith.constant 2 : i32
    %dma_start3A_28 = arith.constant 0 : i32
    %dma_start3A_29 = arith.constant 0 : i32
    %dma_start3A_30 = tpu.memref_slice %arg6[%dma_start3A_27, %dma_start3A_28, %dma_start3A_29] : memref<5x128x128xf32, #tpu.memory_space<vmem>> -> memref<1x128x128xf32, #tpu.memory_space<vmem>>
    %dma_start3A_31 = tpu.memref_squeeze %dma_start3A_30 : memref<1x128x128xf32, #tpu.memory_space<vmem>> -> memref<128x128xf32, #tpu.memory_space<vmem>>
    %dma_start3A_32 = arith.constant 0 : i32
    %dma_start3A_33 = tpu.memref_slice %arg5[%dma_start3A_26, %dma_start3A_32] : memref<50x128xi32, #tpu.memory_space<vmem>> -> memref<1x128xi32, #tpu.memory_space<vmem>>
    %dma_start3A_34 = tpu.memref_squeeze %dma_start3A_33 : memref<1x128xi32, #tpu.memory_space<vmem>> -> memref<128xi32, #tpu.memory_space<vmem>>
    %dma_start3A_35 = arith.constant 0 : i32
    %dma_start3A_36 = arith.constant 0 : i32
    %dma_start3A_37 = tpu.memref_slice %arg2[%dma_start3A_35, %dma_start3A_36] : memref<100004x128xf32, #tpu.memory_space<hbm>> -> memref<100004x128xf32, #tpu.memory_space<hbm>>
    tpu.enqueue_indirect_dma source(%dma_start3A_37 : memref<100004x128xf32, #tpu.memory_space<hbm>>) target(%dma_start3A_31 : memref<128x128xf32, #tpu.memory_space<vmem>>) offsets(%dma_start3A_34 : memref<128xi32, #tpu.memory_space<vmem>>) semaphore(%arg9 : memref<!tpu.dma_semaphore, #tpu.memory_space<semaphore_mem>>)
    %dma_start3A_38 = arith.constant 3 : i32
    %dma_start3A_39 = arith.constant 3 : i32
    %dma_start3A_40 = arith.constant 0 : i32
    %dma_start3A_41 = arith.constant 0 : i32
    %dma_start3A_42 = tpu.memref_slice %arg6[%dma_start3A_39, %dma_start3A_40, %dma_start3A_41] : memref<5x128x128xf32, #tpu.memory_space<vmem>> -> memref<1x128x128xf32, #tpu.memory_space<vmem>>
    %dma_start3A_43 = tpu.memref_squeeze %dma_start3A_42 : memref<1x128x128xf32, #tpu.memory_space<vmem>> -> memref<128x128xf32, #tpu.memory_space<vmem>>
    %dma_start3A_44 = arith.constant 0 : i32
    %dma_start3A_45 = tpu.memref_slice %arg5[%dma_start3A_38, %dma_start3A_44] : memref<50x128xi32, #tpu.memory_space<vmem>> -> memref<1x128xi32, #tpu.memory_space<vmem>>
    %dma_start3A_46 = tpu.memref_squeeze %dma_start3A_45 : memref<1x128xi32, #tpu.memory_space<vmem>> -> memref<128xi32, #tpu.memory_space<vmem>>
    %dma_start3A_47 = arith.constant 0 : i32
    %dma_start3A_48 = arith.constant 0 : i32
    %dma_start3A_49 = tpu.memref_slice %arg2[%dma_start3A_47, %dma_start3A_48] : memref<100004x128xf32, #tpu.memory_space<hbm>> -> memref<100004x128xf32, #tpu.memory_space<hbm>>
    tpu.enqueue_indirect_dma source(%dma_start3A_49 : memref<100004x128xf32, #tpu.memory_space<hbm>>) target(%dma_start3A_43 : memref<128x128xf32, #tpu.memory_space<vmem>>) offsets(%dma_start3A_46 : memref<128xi32, #tpu.memory_space<vmem>>) semaphore(%arg10 : memref<!tpu.dma_semaphore, #tpu.memory_space<semaphore_mem>>)
    %dma_wait3A = arith.constant 0 : i32
    %dma_wait3A_50 = arith.constant 0 : i32
    %dma_wait3A_51 = arith.constant 0 : i32
    %dma_wait3A_52 = arith.constant 0 : i32
    %dma_wait3A_53 = tpu.memref_slice %arg6[%dma_wait3A_50, %dma_wait3A_51, %dma_wait3A_52] : memref<5x128x128xf32, #tpu.memory_space<vmem>> -> memref<1x128x128xf32, #tpu.memory_space<vmem>>
    %dma_wait3A_54 = tpu.memref_squeeze %dma_wait3A_53 : memref<1x128x128xf32, #tpu.memory_space<vmem>> -> memref<128x128xf32, #tpu.memory_space<vmem>>
    %dma_wait3A_55 = arith.constant 0 : i32
    %dma_wait3A_56 = tpu.memref_slice %arg5[%dma_wait3A, %dma_wait3A_55] : memref<50x128xi32, #tpu.memory_space<vmem>> -> memref<1x128xi32, #tpu.memory_space<vmem>>
    %dma_wait3A_57 = tpu.memref_squeeze %dma_wait3A_56 : memref<1x128xi32, #tpu.memory_space<vmem>> -> memref<128xi32, #tpu.memory_space<vmem>>
    %dma_wait3A_58 = arith.constant 0 : i32
    %dma_wait3A_59 = arith.constant 0 : i32
    %dma_wait3A_60 = tpu.memref_slice %arg2[%dma_wait3A_58, %dma_wait3A_59] : memref<100004x128xf32, #tpu.memory_space<hbm>> -> memref<100004x128xf32, #tpu.memory_space<hbm>>
    tpu.wait_indirect_dma semaphore(%arg7 : memref<!tpu.dma_semaphore, #tpu.memory_space<semaphore_mem>>) src(%dma_wait3A_60 : memref<100004x128xf32, #tpu.memory_space<hbm>>) dst(%dma_wait3A_54 : memref<128x128xf32, #tpu.memory_space<vmem>>)
    %add3A_61 = arith.constant 0 : i32
    %add3A_62 = arith.addi %add3A_61, %mul3A_2 : i32
    %multiple_of3A = tpu.assume_multiple %add3A_62, 128 : i32
    %dma_start3A_63 = arith.constant 0 : i32
    %dma_start3A_64 = arith.constant 0 : i32
    %dma_start3A_65 = arith.constant 0 : i32
    %dma_start3A_66 = tpu.memref_slice %arg6[%dma_start3A_63, %dma_start3A_64, %dma_start3A_65] : memref<5x128x128xf32, #tpu.memory_space<vmem>> -> memref<1x128x128xf32, #tpu.memory_space<vmem>>
    %dma_start3A_67 = tpu.memref_squeeze %dma_start3A_66 : memref<1x128x128xf32, #tpu.memory_space<vmem>> -> memref<128x128xf32, #tpu.memory_space<vmem>>
    %dma_start3A_68 = arith.constant 0 : i32
    %dma_start3A_69 = tpu.memref_slice %arg4[%multiple_of3A, %dma_start3A_68] : memref<204800x128xf32, #tpu.memory_space<hbm>> -> memref<128x128xf32, #tpu.memory_space<hbm>>
    %dma_start3A_70 = arith.constant 0 : i32
    %dma_start3A_71 = tpu.memref_slice %arg4[%multiple_of3A, %dma_start3A_70] : memref<204800x128xf32, #tpu.memory_space<hbm>> -> memref<128x128xf32, #tpu.memory_space<hbm>>
    %dma_start3A_72 = arith.constant 0 : i32
    %dma_start3A_73 = arith.constant 0 : i32
    %dma_start3A_74 = tpu.memref_slice %arg6[%dma_start3A_63, %dma_start3A_72, %dma_start3A_73] : memref<5x128x128xf32, #tpu.memory_space<vmem>> -> memref<1x128x128xf32, #tpu.memory_space<vmem>>
    %dma_start3A_75 = tpu.memref_squeeze %dma_start3A_74 : memref<1x128x128xf32, #tpu.memory_space<vmem>> -> memref<128x128xf32, #tpu.memory_space<vmem>>
    tpu.enqueue_dma source(%dma_start3A_75 : memref<128x128xf32, #tpu.memory_space<vmem>>) target(%dma_start3A_71 : memref<128x128xf32, #tpu.memory_space<hbm>>) target_semaphore(%arg12 : memref<!tpu.dma_semaphore, #tpu.memory_space<semaphore_mem>>)
    %dma_start3A_76 = arith.constant 4 : i32
    %dma_start3A_77 = arith.constant 4 : i32
    %dma_start3A_78 = arith.constant 0 : i32
    %dma_start3A_79 = arith.constant 0 : i32
    %dma_start3A_80 = tpu.memref_slice %arg6[%dma_start3A_77, %dma_start3A_78, %dma_start3A_79] : memref<5x128x128xf32, #tpu.memory_space<vmem>> -> memref<1x128x128xf32, #tpu.memory_space<vmem>>
    %dma_start3A_81 = tpu.memref_squeeze %dma_start3A_80 : memref<1x128x128xf32, #tpu.memory_space<vmem>> -> memref<128x128xf32, #tpu.memory_space<vmem>>
    %dma_start3A_82 = arith.constant 0 : i32
    %dma_start3A_83 = tpu.memref_slice %arg5[%dma_start3A_76, %dma_start3A_82] : memref<50x128xi32, #tpu.memory_space<vmem>> -> memref<1x128xi32, #tpu.memory_space<vmem>>
    %dma_start3A_84 = tpu.memref_squeeze %dma_start3A_83 : memref<1x128xi32, #tpu.memory_space<vmem>> -> memref<128xi32, #tpu.memory_space<vmem>>
    %dma_start3A_85 = arith.constant 0 : i32
    %dma_start3A_86 = arith.constant 0 : i32
    %dma_start3A_87 = tpu.memref_slice %arg2[%dma_start3A_85, %dma_start3A_86] : memref<100004x128xf32, #tpu.memory_space<hbm>> -> memref<100004x128xf32, #tpu.memory_space<hbm>>
    tpu.enqueue_indirect_dma source(%dma_start3A_87 : memref<100004x128xf32, #tpu.memory_space<hbm>>) target(%dma_start3A_81 : memref<128x128xf32, #tpu.memory_space<vmem>>) offsets(%dma_start3A_84 : memref<128xi32, #tpu.memory_space<vmem>>) semaphore(%arg11 : memref<!tpu.dma_semaphore, #tpu.memory_space<semaphore_mem>>)
    %dma_wait3A_88 = arith.constant 1 : i32
    %dma_wait3A_89 = arith.constant 1 : i32
    %dma_wait3A_90 = arith.constant 0 : i32
    %dma_wait3A_91 = arith.constant 0 : i32
    %dma_wait3A_92 = tpu.memref_slice %arg6[%dma_wait3A_89, %dma_wait3A_90, %dma_wait3A_91] : memref<5x128x128xf32, #tpu.memory_space<vmem>> -> memref<1x128x128xf32, #tpu.memory_space<vmem>>
    %dma_wait3A_93 = tpu.memref_squeeze %dma_wait3A_92 : memref<1x128x128xf32, #tpu.memory_space<vmem>> -> memref<128x128xf32, #tpu.memory_space<vmem>>
    %dma_wait3A_94 = arith.constant 0 : i32
    %dma_wait3A_95 = tpu.memref_slice %arg5[%dma_wait3A_88, %dma_wait3A_94] : memref<50x128xi32, #tpu.memory_space<vmem>> -> memref<1x128xi32, #tpu.memory_space<vmem>>
    %dma_wait3A_96 = tpu.memref_squeeze %dma_wait3A_95 : memref<1x128xi32, #tpu.memory_space<vmem>> -> memref<128xi32, #tpu.memory_space<vmem>>
    %dma_wait3A_97 = arith.constant 0 : i32
    %dma_wait3A_98 = arith.constant 0 : i32
    %dma_wait3A_99 = tpu.memref_slice %arg2[%dma_wait3A_97, %dma_wait3A_98] : memref<100004x128xf32, #tpu.memory_space<hbm>> -> memref<100004x128xf32, #tpu.memory_space<hbm>>
    tpu.wait_indirect_dma semaphore(%arg8 : memref<!tpu.dma_semaphore, #tpu.memory_space<semaphore_mem>>) src(%dma_wait3A_99 : memref<100004x128xf32, #tpu.memory_space<hbm>>) dst(%dma_wait3A_93 : memref<128x128xf32, #tpu.memory_space<vmem>>)
    %add3A_100 = arith.constant 4096 : i32
    %add3A_101 = arith.addi %add3A_100, %mul3A_2 : i32
    %multiple_of3A_102 = tpu.assume_multiple %add3A_101, 128 : i32
    %dma_start3A_103 = arith.constant 1 : i32
    %dma_start3A_104 = arith.constant 0 : i32
    %dma_start3A_105 = arith.constant 0 : i32
    %dma_start3A_106 = tpu.memref_slice %arg6[%dma_start3A_103, %dma_start3A_104, %dma_start3A_105] : memref<5x128x128xf32, #tpu.memory_space<vmem>> -> memref<1x128x128xf32, #tpu.memory_space<vmem>>
    %dma_start3A_107 = tpu.memref_squeeze %dma_start3A_106 : memref<1x128x128xf32, #tpu.memory_space<vmem>> -> memref<128x128xf32, #tpu.memory_space<vmem>>
    %dma_start3A_108 = arith.constant 0 : i32
    %dma_start3A_109 = tpu.memref_slice %arg4[%multiple_of3A_102, %dma_start3A_108] : memref<204800x128xf32, #tpu.memory_space<hbm>> -> memref<128x128xf32, #tpu.memory_space<hbm>>
    %dma_start3A_110 = arith.constant 0 : i32
    %dma_start3A_111 = tpu.memref_slice %arg4[%multiple_of3A_102, %dma_start3A_110] : memref<204800x128xf32, #tpu.memory_space<hbm>> -> memref<128x128xf32, #tpu.memory_space<hbm>>
    %dma_start3A_112 = arith.constant 0 : i32
    %dma_start3A_113 = arith.constant 0 : i32
    %dma_start3A_114 = tpu.memref_slice %arg6[%dma_start3A_103, %dma_start3A_112, %dma_start3A_113] : memref<5x128x128xf32, #tpu.memory_space<vmem>> -> memref<1x128x128xf32, #tpu.memory_space<vmem>>
    %dma_start3A_115 = tpu.memref_squeeze %dma_start3A_114 : memref<1x128x128xf32, #tpu.memory_space<vmem>> -> memref<128x128xf32, #tpu.memory_space<vmem>>
    tpu.enqueue_dma source(%dma_start3A_115 : memref<128x128xf32, #tpu.memory_space<vmem>>) target(%dma_start3A_111 : memref<128x128xf32, #tpu.memory_space<hbm>>) target_semaphore(%arg13 : memref<!tpu.dma_semaphore, #tpu.memory_space<semaphore_mem>>)
    %add3A_116 = arith.constant 0 : i32
    %add3A_117 = arith.addi %add3A_116, %mul3A_2 : i32
    %multiple_of3A_118 = tpu.assume_multiple %add3A_117, 128 : i32
    %dma_wait3A_119 = arith.constant 0 : i32
    %dma_wait3A_120 = arith.constant 0 : i32
    %dma_wait3A_121 = arith.constant 0 : i32
    %dma_wait3A_122 = tpu.memref_slice %arg6[%dma_wait3A_119, %dma_wait3A_120, %dma_wait3A_121] : memref<5x128x128xf32, #tpu.memory_space<vmem>> -> memref<1x128x128xf32, #tpu.memory_space<vmem>>
    %dma_wait3A_123 = tpu.memref_squeeze %dma_wait3A_122 : memref<1x128x128xf32, #tpu.memory_space<vmem>> -> memref<128x128xf32, #tpu.memory_space<vmem>>
    %dma_wait3A_124 = arith.constant 0 : i32
    %dma_wait3A_125 = tpu.memref_slice %arg4[%multiple_of3A_118, %dma_wait3A_124] : memref<204800x128xf32, #tpu.memory_space<hbm>> -> memref<128x128xf32, #tpu.memory_space<hbm>>
    %dma_wait3A_126 = arith.constant 0 : i32
    %dma_wait3A_127 = tpu.memref_slice %arg4[%multiple_of3A_118, %dma_wait3A_126] : memref<204800x128xf32, #tpu.memory_space<hbm>> -> memref<128x128xf32, #tpu.memory_space<hbm>>
    %dma_wait3A_128 = arith.constant 0 : i32
    %dma_wait3A_129 = arith.constant 0 : i32
    %dma_wait3A_130 = tpu.memref_slice %arg6[%dma_wait3A_119, %dma_wait3A_128, %dma_wait3A_129] : memref<5x128x128xf32, #tpu.memory_space<vmem>> -> memref<1x128x128xf32, #tpu.memory_space<vmem>>
    %dma_wait3A_131 = tpu.memref_squeeze %dma_wait3A_130 : memref<1x128x128xf32, #tpu.memory_space<vmem>> -> memref<128x128xf32, #tpu.memory_space<vmem>>
    tpu.wait_dma2 semaphore(%arg12 : memref<!tpu.dma_semaphore, #tpu.memory_space<semaphore_mem>>) src(%dma_wait3A_131 : memref<128x128xf32, #tpu.memory_space<vmem>>) dst(%dma_wait3A_127 : memref<128x128xf32, #tpu.memory_space<hbm>>)
    %dma_start3A_132 = arith.constant 5 : i32
    %dma_start3A_133 = arith.constant 0 : i32
    %dma_start3A_134 = arith.constant 0 : i32
    %dma_start3A_135 = arith.constant 0 : i32
    %dma_start3A_136 = tpu.memref_slice %arg6[%dma_start3A_133, %dma_start3A_134, %dma_start3A_135] : memref<5x128x128xf32, #tpu.memory_space<vmem>> -> memref<1x128x128xf32, #tpu.memory_space<vmem>>
    %dma_start3A_137 = tpu.memref_squeeze %dma_start3A_136 : memref<1x128x128xf32, #tpu.memory_space<vmem>> -> memref<128x128xf32, #tpu.memory_space<vmem>>
    %dma_start3A_138 = arith.constant 0 : i32
    %dma_start3A_139 = tpu.memref_slice %arg5[%dma_start3A_132, %dma_start3A_138] : memref<50x128xi32, #tpu.memory_space<vmem>> -> memref<1x128xi32, #tpu.memory_space<vmem>>
    %dma_start3A_140 = tpu.memref_squeeze %dma_start3A_139 : memref<1x128xi32, #tpu.memory_space<vmem>> -> memref<128xi32, #tpu.memory_space<vmem>>
    %dma_start3A_141 = arith.constant 0 : i32
    %dma_start3A_142 = arith.constant 0 : i32
    %dma_start3A_143 = tpu.memref_slice %arg2[%dma_start3A_141, %dma_start3A_142] : memref<100004x128xf32, #tpu.memory_space<hbm>> -> memref<100004x128xf32, #tpu.memory_space<hbm>>
    tpu.enqueue_indirect_dma source(%dma_start3A_143 : memref<100004x128xf32, #tpu.memory_space<hbm>>) target(%dma_start3A_137 : memref<128x128xf32, #tpu.memory_space<vmem>>) offsets(%dma_start3A_140 : memref<128xi32, #tpu.memory_space<vmem>>) semaphore(%arg7 : memref<!tpu.dma_semaphore, #tpu.memory_space<semaphore_mem>>)
    %dma_wait3A_144 = arith.constant 2 : i32
    %dma_wait3A_145 = arith.constant 2 : i32
    %dma_wait3A_146 = arith.constant 0 : i32
    %dma_wait3A_147 = arith.constant 0 : i32
    %dma_wait3A_148 = tpu.memref_slice %arg6[%dma_wait3A_145, %dma_wait3A_146, %dma_wait3A_147] : memref<5x128x128xf32, #tpu.memory_space<vmem>> -> memref<1x128x128xf32, #tpu.memory_space<vmem>>
    %dma_wait3A_149 = tpu.memref_squeeze %dma_wait3A_148 : memref<1x128x128xf32, #tpu.memory_space<vmem>> -> memref<128x128xf32, #tpu.memory_space<vmem>>
    %dma_wait3A_150 = arith.constant 0 : i32
    %dma_wait3A_151 = tpu.memref_slice %arg5[%dma_wait3A_144, %dma_wait3A_150] : memref<50x128xi32, #tpu.memory_space<vmem>> -> memref<1x128xi32, #tpu.memory_space<vmem>>
    %dma_wait3A_152 = tpu.memref_squeeze %dma_wait3A_151 : memref<1x128xi32, #tpu.memory_space<vmem>> -> memref<128xi32, #tpu.memory_space<vmem>>
    %dma_wait3A_153 = arith.constant 0 : i32
    %dma_wait3A_154 = arith.constant 0 : i32
    %dma_wait3A_155 = tpu.memref_slice %arg2[%dma_wait3A_153, %dma_wait3A_154] : memref<100004x128xf32, #tpu.memory_space<hbm>> -> memref<100004x128xf32, #tpu.memory_space<hbm>>
    tpu.wait_indirect_dma semaphore(%arg9 : memref<!tpu.dma_semaphore, #tpu.memory_space<semaphore_mem>>) src(%dma_wait3A_155 : memref<100004x128xf32, #tpu.memory_space<hbm>>) dst(%dma_wait3A_149 : memref<128x128xf32, #tpu.memory_space<vmem>>)
    %add3A_156 = arith.constant 8192 : i32
    %add3A_157 = arith.addi %add3A_156, %mul3A_2 : i32
    %multiple_of3A_158 = tpu.assume_multiple %add3A_157, 128 : i32
    %dma_start3A_159 = arith.constant 2 : i32
    %dma_start3A_160 = arith.constant 0 : i32
    %dma_start3A_161 = arith.constant 0 : i32
    %dma_start3A_162 = tpu.memref_slice %arg6[%dma_start3A_159, %dma_start3A_160, %dma_start3A_161] : memref<5x128x128xf32, #tpu.memory_space<vmem>> -> memref<1x128x128xf32, #tpu.memory_space<vmem>>
    %dma_start3A_163 = tpu.memref_squeeze %dma_start3A_162 : memref<1x128x128xf32, #tpu.memory_space<vmem>> -> memref<128x128xf32, #tpu.memory_space<vmem>>
    %dma_start3A_164 = arith.constant 0 : i32
    %dma_start3A_165 = tpu.memref_slice %arg4[%multiple_of3A_158, %dma_start3A_164] : memref<204800x128xf32, #tpu.memory_space<hbm>> -> memref<128x128xf32, #tpu.memory_space<hbm>>
    %dma_start3A_166 = arith.constant 0 : i32
    %dma_start3A_167 = tpu.memref_slice %arg4[%multiple_of3A_158, %dma_start3A_166] : memref<204800x128xf32, #tpu.memory_space<hbm>> -> memref<128x128xf32, #tpu.memory_space<hbm>>
    %dma_start3A_168 = arith.constant 0 : i32
    %dma_start3A_169 = arith.constant 0 : i32
    %dma_start3A_170 = tpu.memref_slice %arg6[%dma_start3A_159, %dma_start3A_168, %dma_start3A_169] : memref<5x128x128xf32, #tpu.memory_space<vmem>> -> memref<1x128x128xf32, #tpu.memory_space<vmem>>
    %dma_start3A_171 = tpu.memref_squeeze %dma_start3A_170 : memref<1x128x128xf32, #tpu.memory_space<vmem>> -> memref<128x128xf32, #tpu.memory_space<vmem>>
    tpu.enqueue_dma source(%dma_start3A_171 : memref<128x128xf32, #tpu.memory_space<vmem>>) target(%dma_start3A_167 : memref<128x128xf32, #tpu.memory_space<hbm>>) target_semaphore(%arg14 : memref<!tpu.dma_semaphore, #tpu.memory_space<semaphore_mem>>)
    %add3A_172 = arith.constant 4096 : i32
    %add3A_173 = arith.addi %add3A_172, %mul3A_2 : i32
    %multiple_of3A_174 = tpu.assume_multiple %add3A_173, 128 : i32
    %dma_wait3A_175 = arith.constant 1 : i32
    %dma_wait3A_176 = arith.constant 0 : i32
    %dma_wait3A_177 = arith.constant 0 : i32
    %dma_wait3A_178 = tpu.memref_slice %arg6[%dma_wait3A_175, %dma_wait3A_176, %dma_wait3A_177] : memref<5x128x128xf32, #tpu.memory_space<vmem>> -> memref<1x128x128xf32, #tpu.memory_space<vmem>>
    %dma_wait3A_179 = tpu.memref_squeeze %dma_wait3A_178 : memref<1x128x128xf32, #tpu.memory_space<vmem>> -> memref<128x128xf32, #tpu.memory_space<vmem>>
    %dma_wait3A_180 = arith.constant 0 : i32
    %dma_wait3A_181 = tpu.memref_slice %arg4[%multiple_of3A_174, %dma_wait3A_180] : memref<204800x128xf32, #tpu.memory_space<hbm>> -> memref<128x128xf32, #tpu.memory_space<hbm>>
    %dma_wait3A_182 = arith.constant 0 : i32
    %dma_wait3A_183 = tpu.memref_slice %arg4[%multiple_of3A_174, %dma_wait3A_182] : memref<204800x128xf32, #tpu.memory_space<hbm>> -> memref<128x128xf32, #tpu.memory_space<hbm>>
    %dma_wait3A_184 = arith.constant 0 : i32
    %dma_wait3A_185 = arith.constant 0 : i32
    %dma_wait3A_186 = tpu.memref_slice %arg6[%dma_wait3A_175, %dma_wait3A_184, %dma_wait3A_185] : memref<5x128x128xf32, #tpu.memory_space<vmem>> -> memref<1x128x128xf32, #tpu.memory_space<vmem>>
    %dma_wait3A_187 = tpu.memref_squeeze %dma_wait3A_186 : memref<1x128x128xf32, #tpu.memory_space<vmem>> -> memref<128x128xf32, #tpu.memory_space<vmem>>
    tpu.wait_dma2 semaphore(%arg13 : memref<!tpu.dma_semaphore, #tpu.memory_space<semaphore_mem>>) src(%dma_wait3A_187 : memref<128x128xf32, #tpu.memory_space<vmem>>) dst(%dma_wait3A_183 : memref<128x128xf32, #tpu.memory_space<hbm>>)
    %dma_start3A_188 = arith.constant 6 : i32
    %dma_start3A_189 = arith.constant 1 : i32
    %dma_start3A_190 = arith.constant 0 : i32
    %dma_start3A_191 = arith.constant 0 : i32
    %dma_start3A_192 = tpu.memref_slice %arg6[%dma_start3A_189, %dma_start3A_190, %dma_start3A_191] : memref<5x128x128xf32, #tpu.memory_space<vmem>> -> memref<1x128x128xf32, #tpu.memory_space<vmem>>
    %dma_start3A_193 = tpu.memref_squeeze %dma_start3A_192 : memref<1x128x128xf32, #tpu.memory_space<vmem>> -> memref<128x128xf32, #tpu.memory_space<vmem>>
    %dma_start3A_194 = arith.constant 0 : i32
    %dma_start3A_195 = tpu.memref_slice %arg5[%dma_start3A_188, %dma_start3A_194] : memref<50x128xi32, #tpu.memory_space<vmem>> -> memref<1x128xi32, #tpu.memory_space<vmem>>
    %dma_start3A_196 = tpu.memref_squeeze %dma_start3A_195 : memref<1x128xi32, #tpu.memory_space<vmem>> -> memref<128xi32, #tpu.memory_space<vmem>>
    %dma_start3A_197 = arith.constant 0 : i32
    %dma_start3A_198 = arith.constant 0 : i32
    %dma_start3A_199 = tpu.memref_slice %arg2[%dma_start3A_197, %dma_start3A_198] : memref<100004x128xf32, #tpu.memory_space<hbm>> -> memref<100004x128xf32, #tpu.memory_space<hbm>>
    tpu.enqueue_indirect_dma source(%dma_start3A_199 : memref<100004x128xf32, #tpu.memory_space<hbm>>) target(%dma_start3A_193 : memref<128x128xf32, #tpu.memory_space<vmem>>) offsets(%dma_start3A_196 : memref<128xi32, #tpu.memory_space<vmem>>) semaphore(%arg8 : memref<!tpu.dma_semaphore, #tpu.memory_space<semaphore_mem>>)
    %dma_wait3A_200 = arith.constant 3 : i32
    %dma_wait3A_201 = arith.constant 3 : i32
    %dma_wait3A_202 = arith.constant 0 : i32
    %dma_wait3A_203 = arith.constant 0 : i32
    %dma_wait3A_204 = tpu.memref_slice %arg6[%dma_wait3A_201, %dma_wait3A_202, %dma_wait3A_203] : memref<5x128x128xf32, #tpu.memory_space<vmem>> -> memref<1x128x128xf32, #tpu.memory_space<vmem>>
    %dma_wait3A_205 = tpu.memref_squeeze %dma_wait3A_204 : memref<1x128x128xf32, #tpu.memory_space<vmem>> -> memref<128x128xf32, #tpu.memory_space<vmem>>
    %dma_wait3A_206 = arith.constant 0 : i32
    %dma_wait3A_207 = tpu.memref_slice %arg5[%dma_wait3A_200, %dma_wait3A_206] : memref<50x128xi32, #tpu.memory_space<vmem>> -> memref<1x128xi32, #tpu.memory_space<vmem>>
    %dma_wait3A_208 = tpu.memref_squeeze %dma_wait3A_207 : memref<1x128xi32, #tpu.memory_space<vmem>> -> memref<128xi32, #tpu.memory_space<vmem>>
    %dma_wait3A_209 = arith.constant 0 : i32
    %dma_wait3A_210 = arith.constant 0 : i32
    %dma_wait3A_211 = tpu.memref_slice %arg2[%dma_wait3A_209, %dma_wait3A_210] : memref<100004x128xf32, #tpu.memory_space<hbm>> -> memref<100004x128xf32, #tpu.memory_space<hbm>>
    tpu.wait_indirect_dma semaphore(%arg10 : memref<!tpu.dma_semaphore, #tpu.memory_space<semaphore_mem>>) src(%dma_wait3A_211 : memref<100004x128xf32, #tpu.memory_space<hbm>>) dst(%dma_wait3A_205 : memref<128x128xf32, #tpu.memory_space<vmem>>)
    %add3A_212 = arith.constant 12288 : i32
    %add3A_213 = arith.addi %add3A_212, %mul3A_2 : i32
    %multiple_of3A_214 = tpu.assume_multiple %add3A_213, 128 : i32
    %dma_start3A_215 = arith.constant 3 : i32
    %dma_start3A_216 = arith.constant 0 : i32
    %dma_start3A_217 = arith.constant 0 : i32
    %dma_start3A_218 = tpu.memref_slice %arg6[%dma_start3A_215, %dma_start3A_216, %dma_start3A_217] : memref<5x128x128xf32, #tpu.memory_space<vmem>> -> memref<1x128x128xf32, #tpu.memory_space<vmem>>
    %dma_start3A_219 = tpu.memref_squeeze %dma_start3A_218 : memref<1x128x128xf32, #tpu.memory_space<vmem>> -> memref<128x128xf32, #tpu.memory_space<vmem>>
    %dma_start3A_220 = arith.constant 0 : i32
    %dma_start3A_221 = tpu.memref_slice %arg4[%multiple_of3A_214, %dma_start3A_220] : memref<204800x128xf32, #tpu.memory_space<hbm>> -> memref<128x128xf32, #tpu.memory_space<hbm>>
    %dma_start3A_222 = arith.constant 0 : i32
    %dma_start3A_223 = tpu.memref_slice %arg4[%multiple_of3A_214, %dma_start3A_222] : memref<204800x128xf32, #tpu.memory_space<hbm>> -> memref<128x128xf32, #tpu.memory_space<hbm>>
    %dma_start3A_224 = arith.constant 0 : i32
    %dma_start3A_225 = arith.constant 0 : i32
    %dma_start3A_226 = tpu.memref_slice %arg6[%dma_start3A_215, %dma_start3A_224, %dma_start3A_225] : memref<5x128x128xf32, #tpu.memory_space<vmem>> -> memref<1x128x128xf32, #tpu.memory_space<vmem>>
    %dma_start3A_227 = tpu.memref_squeeze %dma_start3A_226 : memref<1x128x128xf32, #tpu.memory_space<vmem>> -> memref<128x128xf32, #tpu.memory_space<vmem>>
    tpu.enqueue_dma source(%dma_start3A_227 : memref<128x128xf32, #tpu.memory_space<vmem>>) target(%dma_start3A_223 : memref<128x128xf32, #tpu.memory_space<hbm>>) target_semaphore(%arg15 : memref<!tpu.dma_semaphore, #tpu.memory_space<semaphore_mem>>)
    %add3A_228 = arith.constant 8192 : i32
    %add3A_229 = arith.addi %add3A_228, %mul3A_2 : i32
    %multiple_of3A_230 = tpu.assume_multiple %add3A_229, 128 : i32
    %dma_wait3A_231 = arith.constant 2 : i32
    %dma_wait3A_232 = arith.constant 0 : i32
    %dma_wait3A_233 = arith.constant 0 : i32
    %dma_wait3A_234 = tpu.memref_slice %arg6[%dma_wait3A_231, %dma_wait3A_232, %dma_wait3A_233] : memref<5x128x128xf32, #tpu.memory_space<vmem>> -> memref<1x128x128xf32, #tpu.memory_space<vmem>>
    %dma_wait3A_235 = tpu.memref_squeeze %dma_wait3A_234 : memref<1x128x128xf32, #tpu.memory_space<vmem>> -> memref<128x128xf32, #tpu.memory_space<vmem>>
    %dma_wait3A_236 = arith.constant 0 : i32
    %dma_wait3A_237 = tpu.memref_slice %arg4[%multiple_of3A_230, %dma_wait3A_236] : memref<204800x128xf32, #tpu.memory_space<hbm>> -> memref<128x128xf32, #tpu.memory_space<hbm>>
    %dma_wait3A_238 = arith.constant 0 : i32
    %dma_wait3A_239 = tpu.memref_slice %arg4[%multiple_of3A_230, %dma_wait3A_238] : memref<204800x128xf32, #tpu.memory_space<hbm>> -> memref<128x128xf32, #tpu.memory_space<hbm>>
    %dma_wait3A_240 = arith.constant 0 : i32
    %dma_wait3A_241 = arith.constant 0 : i32
    %dma_wait3A_242 = tpu.memref_slice %arg6[%dma_wait3A_231, %dma_wait3A_240, %dma_wait3A_241] : memref<5x128x128xf32, #tpu.memory_space<vmem>> -> memref<1x128x128xf32, #tpu.memory_space<vmem>>
    %dma_wait3A_243 = tpu.memref_squeeze %dma_wait3A_242 : memref<1x128x128xf32, #tpu.memory_space<vmem>> -> memref<128x128xf32, #tpu.memory_space<vmem>>
    tpu.wait_dma2 semaphore(%arg14 : memref<!tpu.dma_semaphore, #tpu.memory_space<semaphore_mem>>) src(%dma_wait3A_243 : memref<128x128xf32, #tpu.memory_space<vmem>>) dst(%dma_wait3A_239 : memref<128x128xf32, #tpu.memory_space<hbm>>)
    %dma_start3A_244 = arith.constant 7 : i32
    %dma_start3A_245 = arith.constant 2 : i32
    %dma_start3A_246 = arith.constant 0 : i32
    %dma_start3A_247 = arith.constant 0 : i32
    %dma_start3A_248 = tpu.memref_slice %arg6[%dma_start3A_245, %dma_start3A_246, %dma_start3A_247] : memref<5x128x128xf32, #tpu.memory_space<vmem>> -> memref<1x128x128xf32, #tpu.memory_space<vmem>>
    %dma_start3A_249 = tpu.memref_squeeze %dma_start3A_248 : memref<1x128x128xf32, #tpu.memory_space<vmem>> -> memref<128x128xf32, #tpu.memory_space<vmem>>
    %dma_start3A_250 = arith.constant 0 : i32
    %dma_start3A_251 = tpu.memref_slice %arg5[%dma_start3A_244, %dma_start3A_250] : memref<50x128xi32, #tpu.memory_space<vmem>> -> memref<1x128xi32, #tpu.memory_space<vmem>>
    %dma_start3A_252 = tpu.memref_squeeze %dma_start3A_251 : memref<1x128xi32, #tpu.memory_space<vmem>> -> memref<128xi32, #tpu.memory_space<vmem>>
    %dma_start3A_253 = arith.constant 0 : i32
    %dma_start3A_254 = arith.constant 0 : i32
    %dma_start3A_255 = tpu.memref_slice %arg2[%dma_start3A_253, %dma_start3A_254] : memref<100004x128xf32, #tpu.memory_space<hbm>> -> memref<100004x128xf32, #tpu.memory_space<hbm>>
    tpu.enqueue_indirect_dma source(%dma_start3A_255 : memref<100004x128xf32, #tpu.memory_space<hbm>>) target(%dma_start3A_249 : memref<128x128xf32, #tpu.memory_space<vmem>>) offsets(%dma_start3A_252 : memref<128xi32, #tpu.memory_space<vmem>>) semaphore(%arg9 : memref<!tpu.dma_semaphore, #tpu.memory_space<semaphore_mem>>)
    %dma_wait3A_256 = arith.constant 4 : i32
    %dma_wait3A_257 = arith.constant 4 : i32
    %dma_wait3A_258 = arith.constant 0 : i32
    %dma_wait3A_259 = arith.constant 0 : i32
    %dma_wait3A_260 = tpu.memref_slice %arg6[%dma_wait3A_257, %dma_wait3A_258, %dma_wait3A_259] : memref<5x128x128xf32, #tpu.memory_space<vmem>> -> memref<1x128x128xf32, #tpu.memory_space<vmem>>
    %dma_wait3A_261 = tpu.memref_squeeze %dma_wait3A_260 : memref<1x128x128xf32, #tpu.memory_space<vmem>> -> memref<128x128xf32, #tpu.memory_space<vmem>>
    %dma_wait3A_262 = arith.constant 0 : i32
    %dma_wait3A_263 = tpu.memref_slice %arg5[%dma_wait3A_256, %dma_wait3A_262] : memref<50x128xi32, #tpu.memory_space<vmem>> -> memref<1x128xi32, #tpu.memory_space<vmem>>
    %dma_wait3A_264 = tpu.memref_squeeze %dma_wait3A_263 : memref<1x128xi32, #tpu.memory_space<vmem>> -> memref<128xi32, #tpu.memory_space<vmem>>
    %dma_wait3A_265 = arith.constant 0 : i32
    %dma_wait3A_266 = arith.constant 0 : i32
    %dma_wait3A_267 = tpu.memref_slice %arg2[%dma_wait3A_265, %dma_wait3A_266] : memref<100004x128xf32, #tpu.memory_space<hbm>> -> memref<100004x128xf32, #tpu.memory_space<hbm>>
    tpu.wait_indirect_dma semaphore(%arg11 : memref<!tpu.dma_semaphore, #tpu.memory_space<semaphore_mem>>) src(%dma_wait3A_267 : memref<100004x128xf32, #tpu.memory_space<hbm>>) dst(%dma_wait3A_261 : memref<128x128xf32, #tpu.memory_space<vmem>>)
    %add3A_268 = arith.constant 16384 : i32
    %add3A_269 = arith.addi %add3A_268, %mul3A_2 : i32
    %multiple_of3A_270 = tpu.assume_multiple %add3A_269, 128 : i32
    %dma_start3A_271 = arith.constant 4 : i32
    %dma_start3A_272 = arith.constant 0 : i32
    %dma_start3A_273 = arith.constant 0 : i32
    %dma_start3A_274 = tpu.memref_slice %arg6[%dma_start3A_271, %dma_start3A_272, %dma_start3A_273] : memref<5x128x128xf32, #tpu.memory_space<vmem>> -> memref<1x128x128xf32, #tpu.memory_space<vmem>>
    %dma_start3A_275 = tpu.memref_squeeze %dma_start3A_274 : memref<1x128x128xf32, #tpu.memory_space<vmem>> -> memref<128x128xf32, #tpu.memory_space<vmem>>
    %dma_start3A_276 = arith.constant 0 : i32
    %dma_start3A_277 = tpu.memref_slice %arg4[%multiple_of3A_270, %dma_start3A_276] : memref<204800x128xf32, #tpu.memory_space<hbm>> -> memref<128x128xf32, #tpu.memory_space<hbm>>
    %dma_start3A_278 = arith.constant 0 : i32
    %dma_start3A_279 = tpu.memref_slice %arg4[%multiple_of3A_270, %dma_start3A_278] : memref<204800x128xf32, #tpu.memory_space<hbm>> -> memref<128x128xf32, #tpu.memory_space<hbm>>
    %dma_start3A_280 = arith.constant 0 : i32
    %dma_start3A_281 = arith.constant 0 : i32
    %dma_start3A_282 = tpu.memref_slice %arg6[%dma_start3A_271, %dma_start3A_280, %dma_start3A_281] : memref<5x128x128xf32, #tpu.memory_space<vmem>> -> memref<1x128x128xf32, #tpu.memory_space<vmem>>
    %dma_start3A_283 = tpu.memref_squeeze %dma_start3A_282 : memref<1x128x128xf32, #tpu.memory_space<vmem>> -> memref<128x128xf32, #tpu.memory_space<vmem>>
    tpu.enqueue_dma source(%dma_start3A_283 : memref<128x128xf32, #tpu.memory_space<vmem>>) target(%dma_start3A_279 : memref<128x128xf32, #tpu.memory_space<hbm>>) target_semaphore(%arg16 : memref<!tpu.dma_semaphore, #tpu.memory_space<semaphore_mem>>)
    %scan3A = arith.constant 0 : i32
    %scan3A_284 = arith.constant 1 : i32
    %scan3A_285 = arith.constant 8 : i32
    %scan3A_286 = arith.addi %scan3A_284, %scan3A_285 : i32
    %scan3A_287 = arith.constant 1 : i32
    scf.for %scan3A_565 = %scan3A_284 to %scan3A_286 step %scan3A_287  : i32 {
      %mul3A_566 = arith.constant 5 : i32
      %mul3A_567 = arith.muli %scan3A_565, %mul3A_566 : i32
      %add3A_568 = arith.constant 0 : i32
      %add3A_569 = arith.addi %mul3A_567, %add3A_568 : i32
      %sub3A = arith.constant 2 : i32
      %sub3A_570 = arith.subi %add3A_569, %sub3A : i32
      %mul3A_571 = arith.constant 4096 : i32
      %mul3A_572 = arith.muli %sub3A_570, %mul3A_571 : i32
      %add3A_573 = arith.addi %mul3A_572, %mul3A_2 : i32
      %multiple_of3A_574 = tpu.assume_multiple %add3A_573, 128 : i32
      %dma_wait3A_575 = arith.constant 3 : i32
      %dma_wait3A_576 = arith.constant 0 : i32
      %dma_wait3A_577 = arith.constant 0 : i32
      %dma_wait3A_578 = tpu.memref_slice %arg6[%dma_wait3A_575, %dma_wait3A_576, %dma_wait3A_577] : memref<5x128x128xf32, #tpu.memory_space<vmem>> -> memref<1x128x128xf32, #tpu.memory_space<vmem>>
      %dma_wait3A_579 = tpu.memref_squeeze %dma_wait3A_578 : memref<1x128x128xf32, #tpu.memory_space<vmem>> -> memref<128x128xf32, #tpu.memory_space<vmem>>
      %dma_wait3A_580 = arith.constant 0 : i32
      %dma_wait3A_581 = tpu.memref_slice %arg4[%multiple_of3A_574, %dma_wait3A_580] : memref<204800x128xf32, #tpu.memory_space<hbm>> -> memref<128x128xf32, #tpu.memory_space<hbm>>
      %dma_wait3A_582 = arith.constant 0 : i32
      %dma_wait3A_583 = tpu.memref_slice %arg4[%multiple_of3A_574, %dma_wait3A_582] : memref<204800x128xf32, #tpu.memory_space<hbm>> -> memref<128x128xf32, #tpu.memory_space<hbm>>
      %dma_wait3A_584 = arith.constant 0 : i32
      %dma_wait3A_585 = arith.constant 0 : i32
      %dma_wait3A_586 = tpu.memref_slice %arg6[%dma_wait3A_575, %dma_wait3A_584, %dma_wait3A_585] : memref<5x128x128xf32, #tpu.memory_space<vmem>> -> memref<1x128x128xf32, #tpu.memory_space<vmem>>
      %dma_wait3A_587 = tpu.memref_squeeze %dma_wait3A_586 : memref<1x128x128xf32, #tpu.memory_space<vmem>> -> memref<128x128xf32, #tpu.memory_space<vmem>>
      tpu.wait_dma2 semaphore(%arg15 : memref<!tpu.dma_semaphore, #tpu.memory_space<semaphore_mem>>) src(%dma_wait3A_587 : memref<128x128xf32, #tpu.memory_space<vmem>>) dst(%dma_wait3A_583 : memref<128x128xf32, #tpu.memory_space<hbm>>)
      %add3A_588 = arith.constant 3 : i32
      %add3A_589 = arith.addi %add3A_569, %add3A_588 : i32
      %dma_start3A_590 = arith.constant 3 : i32
      %dma_start3A_591 = arith.constant 0 : i32
      %dma_start3A_592 = arith.constant 0 : i32
      %dma_start3A_593 = tpu.memref_slice %arg6[%dma_start3A_590, %dma_start3A_591, %dma_start3A_592] : memref<5x128x128xf32, #tpu.memory_space<vmem>> -> memref<1x128x128xf32, #tpu.memory_space<vmem>>
      %dma_start3A_594 = tpu.memref_squeeze %dma_start3A_593 : memref<1x128x128xf32, #tpu.memory_space<vmem>> -> memref<128x128xf32, #tpu.memory_space<vmem>>
      %dma_start3A_595 = arith.constant 0 : i32
      %dma_start3A_596 = tpu.memref_slice %arg5[%add3A_589, %dma_start3A_595] : memref<50x128xi32, #tpu.memory_space<vmem>> -> memref<1x128xi32, #tpu.memory_space<vmem>>
      %dma_start3A_597 = tpu.memref_squeeze %dma_start3A_596 : memref<1x128xi32, #tpu.memory_space<vmem>> -> memref<128xi32, #tpu.memory_space<vmem>>
      %dma_start3A_598 = arith.constant 0 : i32
      %dma_start3A_599 = arith.constant 0 : i32
      %dma_start3A_600 = tpu.memref_slice %arg2[%dma_start3A_598, %dma_start3A_599] : memref<100004x128xf32, #tpu.memory_space<hbm>> -> memref<100004x128xf32, #tpu.memory_space<hbm>>
      tpu.enqueue_indirect_dma source(%dma_start3A_600 : memref<100004x128xf32, #tpu.memory_space<hbm>>) target(%dma_start3A_594 : memref<128x128xf32, #tpu.memory_space<vmem>>) offsets(%dma_start3A_597 : memref<128xi32, #tpu.memory_space<vmem>>) semaphore(%arg10 : memref<!tpu.dma_semaphore, #tpu.memory_space<semaphore_mem>>)
      %dma_wait3A_601 = arith.constant 0 : i32
      %dma_wait3A_602 = arith.constant 0 : i32
      %dma_wait3A_603 = arith.constant 0 : i32
      %dma_wait3A_604 = tpu.memref_slice %arg6[%dma_wait3A_601, %dma_wait3A_602, %dma_wait3A_603] : memref<5x128x128xf32, #tpu.memory_space<vmem>> -> memref<1x128x128xf32, #tpu.memory_space<vmem>>
      %dma_wait3A_605 = tpu.memref_squeeze %dma_wait3A_604 : memref<1x128x128xf32, #tpu.memory_space<vmem>> -> memref<128x128xf32, #tpu.memory_space<vmem>>
      %dma_wait3A_606 = arith.constant 0 : i32
      %dma_wait3A_607 = tpu.memref_slice %arg5[%add3A_569, %dma_wait3A_606] : memref<50x128xi32, #tpu.memory_space<vmem>> -> memref<1x128xi32, #tpu.memory_space<vmem>>
      %dma_wait3A_608 = tpu.memref_squeeze %dma_wait3A_607 : memref<1x128xi32, #tpu.memory_space<vmem>> -> memref<128xi32, #tpu.memory_space<vmem>>
      %dma_wait3A_609 = arith.constant 0 : i32
      %dma_wait3A_610 = arith.constant 0 : i32
      %dma_wait3A_611 = tpu.memref_slice %arg2[%dma_wait3A_609, %dma_wait3A_610] : memref<100004x128xf32, #tpu.memory_space<hbm>> -> memref<100004x128xf32, #tpu.memory_space<hbm>>
      tpu.wait_indirect_dma semaphore(%arg7 : memref<!tpu.dma_semaphore, #tpu.memory_space<semaphore_mem>>) src(%dma_wait3A_611 : memref<100004x128xf32, #tpu.memory_space<hbm>>) dst(%dma_wait3A_605 : memref<128x128xf32, #tpu.memory_space<vmem>>)
      %mul3A_612 = arith.constant 4096 : i32
      %mul3A_613 = arith.muli %add3A_569, %mul3A_612 : i32
      %add3A_614 = arith.addi %mul3A_613, %mul3A_2 : i32
      %multiple_of3A_615 = tpu.assume_multiple %add3A_614, 128 : i32
      %dma_start3A_616 = arith.constant 0 : i32
      %dma_start3A_617 = arith.constant 0 : i32
      %dma_start3A_618 = arith.constant 0 : i32
      %dma_start3A_619 = tpu.memref_slice %arg6[%dma_start3A_616, %dma_start3A_617, %dma_start3A_618] : memref<5x128x128xf32, #tpu.memory_space<vmem>> -> memref<1x128x128xf32, #tpu.memory_space<vmem>>
      %dma_start3A_620 = tpu.memref_squeeze %dma_start3A_619 : memref<1x128x128xf32, #tpu.memory_space<vmem>> -> memref<128x128xf32, #tpu.memory_space<vmem>>
      %dma_start3A_621 = arith.constant 0 : i32
      %dma_start3A_622 = tpu.memref_slice %arg4[%multiple_of3A_615, %dma_start3A_621] : memref<204800x128xf32, #tpu.memory_space<hbm>> -> memref<128x128xf32, #tpu.memory_space<hbm>>
      %dma_start3A_623 = arith.constant 0 : i32
      %dma_start3A_624 = tpu.memref_slice %arg4[%multiple_of3A_615, %dma_start3A_623] : memref<204800x128xf32, #tpu.memory_space<hbm>> -> memref<128x128xf32, #tpu.memory_space<hbm>>
      %dma_start3A_625 = arith.constant 0 : i32
      %dma_start3A_626 = arith.constant 0 : i32
      %dma_start3A_627 = tpu.memref_slice %arg6[%dma_start3A_616, %dma_start3A_625, %dma_start3A_626] : memref<5x128x128xf32, #tpu.memory_space<vmem>> -> memref<1x128x128xf32, #tpu.memory_space<vmem>>
      %dma_start3A_628 = tpu.memref_squeeze %dma_start3A_627 : memref<1x128x128xf32, #tpu.memory_space<vmem>> -> memref<128x128xf32, #tpu.memory_space<vmem>>
      tpu.enqueue_dma source(%dma_start3A_628 : memref<128x128xf32, #tpu.memory_space<vmem>>) target(%dma_start3A_624 : memref<128x128xf32, #tpu.memory_space<hbm>>) target_semaphore(%arg12 : memref<!tpu.dma_semaphore, #tpu.memory_space<semaphore_mem>>)
      %mul3A_629 = arith.constant 5 : i32
      %mul3A_630 = arith.muli %scan3A_565, %mul3A_629 : i32
      %add3A_631 = arith.constant 1 : i32
      %add3A_632 = arith.addi %mul3A_630, %add3A_631 : i32
      %sub3A_633 = arith.constant 2 : i32
      %sub3A_634 = arith.subi %add3A_632, %sub3A_633 : i32
      %mul3A_635 = arith.constant 4096 : i32
      %mul3A_636 = arith.muli %sub3A_634, %mul3A_635 : i32
      %add3A_637 = arith.addi %mul3A_636, %mul3A_2 : i32
      %multiple_of3A_638 = tpu.assume_multiple %add3A_637, 128 : i32
      %dma_wait3A_639 = arith.constant 4 : i32
      %dma_wait3A_640 = arith.constant 0 : i32
      %dma_wait3A_641 = arith.constant 0 : i32
      %dma_wait3A_642 = tpu.memref_slice %arg6[%dma_wait3A_639, %dma_wait3A_640, %dma_wait3A_641] : memref<5x128x128xf32, #tpu.memory_space<vmem>> -> memref<1x128x128xf32, #tpu.memory_space<vmem>>
      %dma_wait3A_643 = tpu.memref_squeeze %dma_wait3A_642 : memref<1x128x128xf32, #tpu.memory_space<vmem>> -> memref<128x128xf32, #tpu.memory_space<vmem>>
      %dma_wait3A_644 = arith.constant 0 : i32
      %dma_wait3A_645 = tpu.memref_slice %arg4[%multiple_of3A_638, %dma_wait3A_644] : memref<204800x128xf32, #tpu.memory_space<hbm>> -> memref<128x128xf32, #tpu.memory_space<hbm>>
      %dma_wait3A_646 = arith.constant 0 : i32
      %dma_wait3A_647 = tpu.memref_slice %arg4[%multiple_of3A_638, %dma_wait3A_646] : memref<204800x128xf32, #tpu.memory_space<hbm>> -> memref<128x128xf32, #tpu.memory_space<hbm>>
      %dma_wait3A_648 = arith.constant 0 : i32
      %dma_wait3A_649 = arith.constant 0 : i32
      %dma_wait3A_650 = tpu.memref_slice %arg6[%dma_wait3A_639, %dma_wait3A_648, %dma_wait3A_649] : memref<5x128x128xf32, #tpu.memory_space<vmem>> -> memref<1x128x128xf32, #tpu.memory_space<vmem>>
      %dma_wait3A_651 = tpu.memref_squeeze %dma_wait3A_650 : memref<1x128x128xf32, #tpu.memory_space<vmem>> -> memref<128x128xf32, #tpu.memory_space<vmem>>
      tpu.wait_dma2 semaphore(%arg16 : memref<!tpu.dma_semaphore, #tpu.memory_space<semaphore_mem>>) src(%dma_wait3A_651 : memref<128x128xf32, #tpu.memory_space<vmem>>) dst(%dma_wait3A_647 : memref<128x128xf32, #tpu.memory_space<hbm>>)
      %add3A_652 = arith.constant 3 : i32
      %add3A_653 = arith.addi %add3A_632, %add3A_652 : i32
      %dma_start3A_654 = arith.constant 4 : i32
      %dma_start3A_655 = arith.constant 0 : i32
      %dma_start3A_656 = arith.constant 0 : i32
      %dma_start3A_657 = tpu.memref_slice %arg6[%dma_start3A_654, %dma_start3A_655, %dma_start3A_656] : memref<5x128x128xf32, #tpu.memory_space<vmem>> -> memref<1x128x128xf32, #tpu.memory_space<vmem>>
      %dma_start3A_658 = tpu.memref_squeeze %dma_start3A_657 : memref<1x128x128xf32, #tpu.memory_space<vmem>> -> memref<128x128xf32, #tpu.memory_space<vmem>>
      %dma_start3A_659 = arith.constant 0 : i32
      %dma_start3A_660 = tpu.memref_slice %arg5[%add3A_653, %dma_start3A_659] : memref<50x128xi32, #tpu.memory_space<vmem>> -> memref<1x128xi32, #tpu.memory_space<vmem>>
      %dma_start3A_661 = tpu.memref_squeeze %dma_start3A_660 : memref<1x128xi32, #tpu.memory_space<vmem>> -> memref<128xi32, #tpu.memory_space<vmem>>
      %dma_start3A_662 = arith.constant 0 : i32
      %dma_start3A_663 = arith.constant 0 : i32
      %dma_start3A_664 = tpu.memref_slice %arg2[%dma_start3A_662, %dma_start3A_663] : memref<100004x128xf32, #tpu.memory_space<hbm>> -> memref<100004x128xf32, #tpu.memory_space<hbm>>
      tpu.enqueue_indirect_dma source(%dma_start3A_664 : memref<100004x128xf32, #tpu.memory_space<hbm>>) target(%dma_start3A_658 : memref<128x128xf32, #tpu.memory_space<vmem>>) offsets(%dma_start3A_661 : memref<128xi32, #tpu.memory_space<vmem>>) semaphore(%arg11 : memref<!tpu.dma_semaphore, #tpu.memory_space<semaphore_mem>>)
      %dma_wait3A_665 = arith.constant 1 : i32
      %dma_wait3A_666 = arith.constant 0 : i32
      %dma_wait3A_667 = arith.constant 0 : i32
      %dma_wait3A_668 = tpu.memref_slice %arg6[%dma_wait3A_665, %dma_wait3A_666, %dma_wait3A_667] : memref<5x128x128xf32, #tpu.memory_space<vmem>> -> memref<1x128x128xf32, #tpu.memory_space<vmem>>
      %dma_wait3A_669 = tpu.memref_squeeze %dma_wait3A_668 : memref<1x128x128xf32, #tpu.memory_space<vmem>> -> memref<128x128xf32, #tpu.memory_space<vmem>>
      %dma_wait3A_670 = arith.constant 0 : i32
      %dma_wait3A_671 = tpu.memref_slice %arg5[%add3A_632, %dma_wait3A_670] : memref<50x128xi32, #tpu.memory_space<vmem>> -> memref<1x128xi32, #tpu.memory_space<vmem>>
      %dma_wait3A_672 = tpu.memref_squeeze %dma_wait3A_671 : memref<1x128xi32, #tpu.memory_space<vmem>> -> memref<128xi32, #tpu.memory_space<vmem>>
      %dma_wait3A_673 = arith.constant 0 : i32
      %dma_wait3A_674 = arith.constant 0 : i32
      %dma_wait3A_675 = tpu.memref_slice %arg2[%dma_wait3A_673, %dma_wait3A_674] : memref<100004x128xf32, #tpu.memory_space<hbm>> -> memref<100004x128xf32, #tpu.memory_space<hbm>>
      tpu.wait_indirect_dma semaphore(%arg8 : memref<!tpu.dma_semaphore, #tpu.memory_space<semaphore_mem>>) src(%dma_wait3A_675 : memref<100004x128xf32, #tpu.memory_space<hbm>>) dst(%dma_wait3A_669 : memref<128x128xf32, #tpu.memory_space<vmem>>)
      %mul3A_676 = arith.constant 4096 : i32
      %mul3A_677 = arith.muli %add3A_632, %mul3A_676 : i32
      %add3A_678 = arith.addi %mul3A_677, %mul3A_2 : i32
      %multiple_of3A_679 = tpu.assume_multiple %add3A_678, 128 : i32
      %dma_start3A_680 = arith.constant 1 : i32
      %dma_start3A_681 = arith.constant 0 : i32
      %dma_start3A_682 = arith.constant 0 : i32
      %dma_start3A_683 = tpu.memref_slice %arg6[%dma_start3A_680, %dma_start3A_681, %dma_start3A_682] : memref<5x128x128xf32, #tpu.memory_space<vmem>> -> memref<1x128x128xf32, #tpu.memory_space<vmem>>
      %dma_start3A_684 = tpu.memref_squeeze %dma_start3A_683 : memref<1x128x128xf32, #tpu.memory_space<vmem>> -> memref<128x128xf32, #tpu.memory_space<vmem>>
      %dma_start3A_685 = arith.constant 0 : i32
      %dma_start3A_686 = tpu.memref_slice %arg4[%multiple_of3A_679, %dma_start3A_685] : memref<204800x128xf32, #tpu.memory_space<hbm>> -> memref<128x128xf32, #tpu.memory_space<hbm>>
      %dma_start3A_687 = arith.constant 0 : i32
      %dma_start3A_688 = tpu.memref_slice %arg4[%multiple_of3A_679, %dma_start3A_687] : memref<204800x128xf32, #tpu.memory_space<hbm>> -> memref<128x128xf32, #tpu.memory_space<hbm>>
      %dma_start3A_689 = arith.constant 0 : i32
      %dma_start3A_690 = arith.constant 0 : i32
      %dma_start3A_691 = tpu.memref_slice %arg6[%dma_start3A_680, %dma_start3A_689, %dma_start3A_690] : memref<5x128x128xf32, #tpu.memory_space<vmem>> -> memref<1x128x128xf32, #tpu.memory_space<vmem>>
      %dma_start3A_692 = tpu.memref_squeeze %dma_start3A_691 : memref<1x128x128xf32, #tpu.memory_space<vmem>> -> memref<128x128xf32, #tpu.memory_space<vmem>>
      tpu.enqueue_dma source(%dma_start3A_692 : memref<128x128xf32, #tpu.memory_space<vmem>>) target(%dma_start3A_688 : memref<128x128xf32, #tpu.memory_space<hbm>>) target_semaphore(%arg13 : memref<!tpu.dma_semaphore, #tpu.memory_space<semaphore_mem>>)
      %mul3A_693 = arith.constant 5 : i32
      %mul3A_694 = arith.muli %scan3A_565, %mul3A_693 : i32
      %add3A_695 = arith.constant 2 : i32
      %add3A_696 = arith.addi %mul3A_694, %add3A_695 : i32
      %sub3A_697 = arith.constant 2 : i32
      %sub3A_698 = arith.subi %add3A_696, %sub3A_697 : i32
      %mul3A_699 = arith.constant 4096 : i32
      %mul3A_700 = arith.muli %sub3A_698, %mul3A_699 : i32
      %add3A_701 = arith.addi %mul3A_700, %mul3A_2 : i32
      %multiple_of3A_702 = tpu.assume_multiple %add3A_701, 128 : i32
      %dma_wait3A_703 = arith.constant 0 : i32
      %dma_wait3A_704 = arith.constant 0 : i32
      %dma_wait3A_705 = arith.constant 0 : i32
      %dma_wait3A_706 = tpu.memref_slice %arg6[%dma_wait3A_703, %dma_wait3A_704, %dma_wait3A_705] : memref<5x128x128xf32, #tpu.memory_space<vmem>> -> memref<1x128x128xf32, #tpu.memory_space<vmem>>
      %dma_wait3A_707 = tpu.memref_squeeze %dma_wait3A_706 : memref<1x128x128xf32, #tpu.memory_space<vmem>> -> memref<128x128xf32, #tpu.memory_space<vmem>>
      %dma_wait3A_708 = arith.constant 0 : i32
      %dma_wait3A_709 = tpu.memref_slice %arg4[%multiple_of3A_702, %dma_wait3A_708] : memref<204800x128xf32, #tpu.memory_space<hbm>> -> memref<128x128xf32, #tpu.memory_space<hbm>>
      %dma_wait3A_710 = arith.constant 0 : i32
      %dma_wait3A_711 = tpu.memref_slice %arg4[%multiple_of3A_702, %dma_wait3A_710] : memref<204800x128xf32, #tpu.memory_space<hbm>> -> memref<128x128xf32, #tpu.memory_space<hbm>>
      %dma_wait3A_712 = arith.constant 0 : i32
      %dma_wait3A_713 = arith.constant 0 : i32
      %dma_wait3A_714 = tpu.memref_slice %arg6[%dma_wait3A_703, %dma_wait3A_712, %dma_wait3A_713] : memref<5x128x128xf32, #tpu.memory_space<vmem>> -> memref<1x128x128xf32, #tpu.memory_space<vmem>>
      %dma_wait3A_715 = tpu.memref_squeeze %dma_wait3A_714 : memref<1x128x128xf32, #tpu.memory_space<vmem>> -> memref<128x128xf32, #tpu.memory_space<vmem>>
      tpu.wait_dma2 semaphore(%arg12 : memref<!tpu.dma_semaphore, #tpu.memory_space<semaphore_mem>>) src(%dma_wait3A_715 : memref<128x128xf32, #tpu.memory_space<vmem>>) dst(%dma_wait3A_711 : memref<128x128xf32, #tpu.memory_space<hbm>>)
      %add3A_716 = arith.constant 3 : i32
      %add3A_717 = arith.addi %add3A_696, %add3A_716 : i32
      %dma_start3A_718 = arith.constant 0 : i32
      %dma_start3A_719 = arith.constant 0 : i32
      %dma_start3A_720 = arith.constant 0 : i32
      %dma_start3A_721 = tpu.memref_slice %arg6[%dma_start3A_718, %dma_start3A_719, %dma_start3A_720] : memref<5x128x128xf32, #tpu.memory_space<vmem>> -> memref<1x128x128xf32, #tpu.memory_space<vmem>>
      %dma_start3A_722 = tpu.memref_squeeze %dma_start3A_721 : memref<1x128x128xf32, #tpu.memory_space<vmem>> -> memref<128x128xf32, #tpu.memory_space<vmem>>
      %dma_start3A_723 = arith.constant 0 : i32
      %dma_start3A_724 = tpu.memref_slice %arg5[%add3A_717, %dma_start3A_723] : memref<50x128xi32, #tpu.memory_space<vmem>> -> memref<1x128xi32, #tpu.memory_space<vmem>>
      %dma_start3A_725 = tpu.memref_squeeze %dma_start3A_724 : memref<1x128xi32, #tpu.memory_space<vmem>> -> memref<128xi32, #tpu.memory_space<vmem>>
      %dma_start3A_726 = arith.constant 0 : i32
      %dma_start3A_727 = arith.constant 0 : i32
      %dma_start3A_728 = tpu.memref_slice %arg2[%dma_start3A_726, %dma_start3A_727] : memref<100004x128xf32, #tpu.memory_space<hbm>> -> memref<100004x128xf32, #tpu.memory_space<hbm>>
      tpu.enqueue_indirect_dma source(%dma_start3A_728 : memref<100004x128xf32, #tpu.memory_space<hbm>>) target(%dma_start3A_722 : memref<128x128xf32, #tpu.memory_space<vmem>>) offsets(%dma_start3A_725 : memref<128xi32, #tpu.memory_space<vmem>>) semaphore(%arg7 : memref<!tpu.dma_semaphore, #tpu.memory_space<semaphore_mem>>)
      %dma_wait3A_729 = arith.constant 2 : i32
      %dma_wait3A_730 = arith.constant 0 : i32
      %dma_wait3A_731 = arith.constant 0 : i32
      %dma_wait3A_732 = tpu.memref_slice %arg6[%dma_wait3A_729, %dma_wait3A_730, %dma_wait3A_731] : memref<5x128x128xf32, #tpu.memory_space<vmem>> -> memref<1x128x128xf32, #tpu.memory_space<vmem>>
      %dma_wait3A_733 = tpu.memref_squeeze %dma_wait3A_732 : memref<1x128x128xf32, #tpu.memory_space<vmem>> -> memref<128x128xf32, #tpu.memory_space<vmem>>
      %dma_wait3A_734 = arith.constant 0 : i32
      %dma_wait3A_735 = tpu.memref_slice %arg5[%add3A_696, %dma_wait3A_734] : memref<50x128xi32, #tpu.memory_space<vmem>> -> memref<1x128xi32, #tpu.memory_space<vmem>>
      %dma_wait3A_736 = tpu.memref_squeeze %dma_wait3A_735 : memref<1x128xi32, #tpu.memory_space<vmem>> -> memref<128xi32, #tpu.memory_space<vmem>>
      %dma_wait3A_737 = arith.constant 0 : i32
      %dma_wait3A_738 = arith.constant 0 : i32
      %dma_wait3A_739 = tpu.memref_slice %arg2[%dma_wait3A_737, %dma_wait3A_738] : memref<100004x128xf32, #tpu.memory_space<hbm>> -> memref<100004x128xf32, #tpu.memory_space<hbm>>
      tpu.wait_indirect_dma semaphore(%arg9 : memref<!tpu.dma_semaphore, #tpu.memory_space<semaphore_mem>>) src(%dma_wait3A_739 : memref<100004x128xf32, #tpu.memory_space<hbm>>) dst(%dma_wait3A_733 : memref<128x128xf32, #tpu.memory_space<vmem>>)
      %mul3A_740 = arith.constant 4096 : i32
      %mul3A_741 = arith.muli %add3A_696, %mul3A_740 : i32
      %add3A_742 = arith.addi %mul3A_741, %mul3A_2 : i32
      %multiple_of3A_743 = tpu.assume_multiple %add3A_742, 128 : i32
      %dma_start3A_744 = arith.constant 2 : i32
      %dma_start3A_745 = arith.constant 0 : i32
      %dma_start3A_746 = arith.constant 0 : i32
      %dma_start3A_747 = tpu.memref_slice %arg6[%dma_start3A_744, %dma_start3A_745, %dma_start3A_746] : memref<5x128x128xf32, #tpu.memory_space<vmem>> -> memref<1x128x128xf32, #tpu.memory_space<vmem>>
      %dma_start3A_748 = tpu.memref_squeeze %dma_start3A_747 : memref<1x128x128xf32, #tpu.memory_space<vmem>> -> memref<128x128xf32, #tpu.memory_space<vmem>>
      %dma_start3A_749 = arith.constant 0 : i32
      %dma_start3A_750 = tpu.memref_slice %arg4[%multiple_of3A_743, %dma_start3A_749] : memref<204800x128xf32, #tpu.memory_space<hbm>> -> memref<128x128xf32, #tpu.memory_space<hbm>>
      %dma_start3A_751 = arith.constant 0 : i32
      %dma_start3A_752 = tpu.memref_slice %arg4[%multiple_of3A_743, %dma_start3A_751] : memref<204800x128xf32, #tpu.memory_space<hbm>> -> memref<128x128xf32, #tpu.memory_space<hbm>>
      %dma_start3A_753 = arith.constant 0 : i32
      %dma_start3A_754 = arith.constant 0 : i32
      %dma_start3A_755 = tpu.memref_slice %arg6[%dma_start3A_744, %dma_start3A_753, %dma_start3A_754] : memref<5x128x128xf32, #tpu.memory_space<vmem>> -> memref<1x128x128xf32, #tpu.memory_space<vmem>>
      %dma_start3A_756 = tpu.memref_squeeze %dma_start3A_755 : memref<1x128x128xf32, #tpu.memory_space<vmem>> -> memref<128x128xf32, #tpu.memory_space<vmem>>
      tpu.enqueue_dma source(%dma_start3A_756 : memref<128x128xf32, #tpu.memory_space<vmem>>) target(%dma_start3A_752 : memref<128x128xf32, #tpu.memory_space<hbm>>) target_semaphore(%arg14 : memref<!tpu.dma_semaphore, #tpu.memory_space<semaphore_mem>>)
      %mul3A_757 = arith.constant 5 : i32
      %mul3A_758 = arith.muli %scan3A_565, %mul3A_757 : i32
      %add3A_759 = arith.constant 3 : i32
      %add3A_760 = arith.addi %mul3A_758, %add3A_759 : i32
      %sub3A_761 = arith.constant 2 : i32
      %sub3A_762 = arith.subi %add3A_760, %sub3A_761 : i32
      %mul3A_763 = arith.constant 4096 : i32
      %mul3A_764 = arith.muli %sub3A_762, %mul3A_763 : i32
      %add3A_765 = arith.addi %mul3A_764, %mul3A_2 : i32
      %multiple_of3A_766 = tpu.assume_multiple %add3A_765, 128 : i32
      %dma_wait3A_767 = arith.constant 1 : i32
      %dma_wait3A_768 = arith.constant 0 : i32
      %dma_wait3A_769 = arith.constant 0 : i32
      %dma_wait3A_770 = tpu.memref_slice %arg6[%dma_wait3A_767, %dma_wait3A_768, %dma_wait3A_769] : memref<5x128x128xf32, #tpu.memory_space<vmem>> -> memref<1x128x128xf32, #tpu.memory_space<vmem>>
      %dma_wait3A_771 = tpu.memref_squeeze %dma_wait3A_770 : memref<1x128x128xf32, #tpu.memory_space<vmem>> -> memref<128x128xf32, #tpu.memory_space<vmem>>
      %dma_wait3A_772 = arith.constant 0 : i32
      %dma_wait3A_773 = tpu.memref_slice %arg4[%multiple_of3A_766, %dma_wait3A_772] : memref<204800x128xf32, #tpu.memory_space<hbm>> -> memref<128x128xf32, #tpu.memory_space<hbm>>
      %dma_wait3A_774 = arith.constant 0 : i32
      %dma_wait3A_775 = tpu.memref_slice %arg4[%multiple_of3A_766, %dma_wait3A_774] : memref<204800x128xf32, #tpu.memory_space<hbm>> -> memref<128x128xf32, #tpu.memory_space<hbm>>
      %dma_wait3A_776 = arith.constant 0 : i32
      %dma_wait3A_777 = arith.constant 0 : i32
      %dma_wait3A_778 = tpu.memref_slice %arg6[%dma_wait3A_767, %dma_wait3A_776, %dma_wait3A_777] : memref<5x128x128xf32, #tpu.memory_space<vmem>> -> memref<1x128x128xf32, #tpu.memory_space<vmem>>
      %dma_wait3A_779 = tpu.memref_squeeze %dma_wait3A_778 : memref<1x128x128xf32, #tpu.memory_space<vmem>> -> memref<128x128xf32, #tpu.memory_space<vmem>>
      tpu.wait_dma2 semaphore(%arg13 : memref<!tpu.dma_semaphore, #tpu.memory_space<semaphore_mem>>) src(%dma_wait3A_779 : memref<128x128xf32, #tpu.memory_space<vmem>>) dst(%dma_wait3A_775 : memref<128x128xf32, #tpu.memory_space<hbm>>)
      %add3A_780 = arith.constant 3 : i32
      %add3A_781 = arith.addi %add3A_760, %add3A_780 : i32
      %dma_start3A_782 = arith.constant 1 : i32
      %dma_start3A_783 = arith.constant 0 : i32
      %dma_start3A_784 = arith.constant 0 : i32
      %dma_start3A_785 = tpu.memref_slice %arg6[%dma_start3A_782, %dma_start3A_783, %dma_start3A_784] : memref<5x128x128xf32, #tpu.memory_space<vmem>> -> memref<1x128x128xf32, #tpu.memory_space<vmem>>
      %dma_start3A_786 = tpu.memref_squeeze %dma_start3A_785 : memref<1x128x128xf32, #tpu.memory_space<vmem>> -> memref<128x128xf32, #tpu.memory_space<vmem>>
      %dma_start3A_787 = arith.constant 0 : i32
      %dma_start3A_788 = tpu.memref_slice %arg5[%add3A_781, %dma_start3A_787] : memref<50x128xi32, #tpu.memory_space<vmem>> -> memref<1x128xi32, #tpu.memory_space<vmem>>
      %dma_start3A_789 = tpu.memref_squeeze %dma_start3A_788 : memref<1x128xi32, #tpu.memory_space<vmem>> -> memref<128xi32, #tpu.memory_space<vmem>>
      %dma_start3A_790 = arith.constant 0 : i32
      %dma_start3A_791 = arith.constant 0 : i32
      %dma_start3A_792 = tpu.memref_slice %arg2[%dma_start3A_790, %dma_start3A_791] : memref<100004x128xf32, #tpu.memory_space<hbm>> -> memref<100004x128xf32, #tpu.memory_space<hbm>>
      tpu.enqueue_indirect_dma source(%dma_start3A_792 : memref<100004x128xf32, #tpu.memory_space<hbm>>) target(%dma_start3A_786 : memref<128x128xf32, #tpu.memory_space<vmem>>) offsets(%dma_start3A_789 : memref<128xi32, #tpu.memory_space<vmem>>) semaphore(%arg8 : memref<!tpu.dma_semaphore, #tpu.memory_space<semaphore_mem>>)
      %dma_wait3A_793 = arith.constant 3 : i32
      %dma_wait3A_794 = arith.constant 0 : i32
      %dma_wait3A_795 = arith.constant 0 : i32
      %dma_wait3A_796 = tpu.memref_slice %arg6[%dma_wait3A_793, %dma_wait3A_794, %dma_wait3A_795] : memref<5x128x128xf32, #tpu.memory_space<vmem>> -> memref<1x128x128xf32, #tpu.memory_space<vmem>>
      %dma_wait3A_797 = tpu.memref_squeeze %dma_wait3A_796 : memref<1x128x128xf32, #tpu.memory_space<vmem>> -> memref<128x128xf32, #tpu.memory_space<vmem>>
      %dma_wait3A_798 = arith.constant 0 : i32
      %dma_wait3A_799 = tpu.memref_slice %arg5[%add3A_760, %dma_wait3A_798] : memref<50x128xi32, #tpu.memory_space<vmem>> -> memref<1x128xi32, #tpu.memory_space<vmem>>
      %dma_wait3A_800 = tpu.memref_squeeze %dma_wait3A_799 : memref<1x128xi32, #tpu.memory_space<vmem>> -> memref<128xi32, #tpu.memory_space<vmem>>
      %dma_wait3A_801 = arith.constant 0 : i32
      %dma_wait3A_802 = arith.constant 0 : i32
      %dma_wait3A_803 = tpu.memref_slice %arg2[%dma_wait3A_801, %dma_wait3A_802] : memref<100004x128xf32, #tpu.memory_space<hbm>> -> memref<100004x128xf32, #tpu.memory_space<hbm>>
      tpu.wait_indirect_dma semaphore(%arg10 : memref<!tpu.dma_semaphore, #tpu.memory_space<semaphore_mem>>) src(%dma_wait3A_803 : memref<100004x128xf32, #tpu.memory_space<hbm>>) dst(%dma_wait3A_797 : memref<128x128xf32, #tpu.memory_space<vmem>>)
      %mul3A_804 = arith.constant 4096 : i32
      %mul3A_805 = arith.muli %add3A_760, %mul3A_804 : i32
      %add3A_806 = arith.addi %mul3A_805, %mul3A_2 : i32
      %multiple_of3A_807 = tpu.assume_multiple %add3A_806, 128 : i32
      %dma_start3A_808 = arith.constant 3 : i32
      %dma_start3A_809 = arith.constant 0 : i32
      %dma_start3A_810 = arith.constant 0 : i32
      %dma_start3A_811 = tpu.memref_slice %arg6[%dma_start3A_808, %dma_start3A_809, %dma_start3A_810] : memref<5x128x128xf32, #tpu.memory_space<vmem>> -> memref<1x128x128xf32, #tpu.memory_space<vmem>>
      %dma_start3A_812 = tpu.memref_squeeze %dma_start3A_811 : memref<1x128x128xf32, #tpu.memory_space<vmem>> -> memref<128x128xf32, #tpu.memory_space<vmem>>
      %dma_start3A_813 = arith.constant 0 : i32
      %dma_start3A_814 = tpu.memref_slice %arg4[%multiple_of3A_807, %dma_start3A_813] : memref<204800x128xf32, #tpu.memory_space<hbm>> -> memref<128x128xf32, #tpu.memory_space<hbm>>
      %dma_start3A_815 = arith.constant 0 : i32
      %dma_start3A_816 = tpu.memref_slice %arg4[%multiple_of3A_807, %dma_start3A_815] : memref<204800x128xf32, #tpu.memory_space<hbm>> -> memref<128x128xf32, #tpu.memory_space<hbm>>
      %dma_start3A_817 = arith.constant 0 : i32
      %dma_start3A_818 = arith.constant 0 : i32
      %dma_start3A_819 = tpu.memref_slice %arg6[%dma_start3A_808, %dma_start3A_817, %dma_start3A_818] : memref<5x128x128xf32, #tpu.memory_space<vmem>> -> memref<1x128x128xf32, #tpu.memory_space<vmem>>
      %dma_start3A_820 = tpu.memref_squeeze %dma_start3A_819 : memref<1x128x128xf32, #tpu.memory_space<vmem>> -> memref<128x128xf32, #tpu.memory_space<vmem>>
      tpu.enqueue_dma source(%dma_start3A_820 : memref<128x128xf32, #tpu.memory_space<vmem>>) target(%dma_start3A_816 : memref<128x128xf32, #tpu.memory_space<hbm>>) target_semaphore(%arg15 : memref<!tpu.dma_semaphore, #tpu.memory_space<semaphore_mem>>)
      %mul3A_821 = arith.constant 5 : i32
      %mul3A_822 = arith.muli %scan3A_565, %mul3A_821 : i32
      %add3A_823 = arith.constant 4 : i32
      %add3A_824 = arith.addi %mul3A_822, %add3A_823 : i32
      %sub3A_825 = arith.constant 2 : i32
      %sub3A_826 = arith.subi %add3A_824, %sub3A_825 : i32
      %mul3A_827 = arith.constant 4096 : i32
      %mul3A_828 = arith.muli %sub3A_826, %mul3A_827 : i32
      %add3A_829 = arith.addi %mul3A_828, %mul3A_2 : i32
      %multiple_of3A_830 = tpu.assume_multiple %add3A_829, 128 : i32
      %dma_wait3A_831 = arith.constant 2 : i32
      %dma_wait3A_832 = arith.constant 0 : i32
      %dma_wait3A_833 = arith.constant 0 : i32
      %dma_wait3A_834 = tpu.memref_slice %arg6[%dma_wait3A_831, %dma_wait3A_832, %dma_wait3A_833] : memref<5x128x128xf32, #tpu.memory_space<vmem>> -> memref<1x128x128xf32, #tpu.memory_space<vmem>>
      %dma_wait3A_835 = tpu.memref_squeeze %dma_wait3A_834 : memref<1x128x128xf32, #tpu.memory_space<vmem>> -> memref<128x128xf32, #tpu.memory_space<vmem>>
      %dma_wait3A_836 = arith.constant 0 : i32
      %dma_wait3A_837 = tpu.memref_slice %arg4[%multiple_of3A_830, %dma_wait3A_836] : memref<204800x128xf32, #tpu.memory_space<hbm>> -> memref<128x128xf32, #tpu.memory_space<hbm>>
      %dma_wait3A_838 = arith.constant 0 : i32
      %dma_wait3A_839 = tpu.memref_slice %arg4[%multiple_of3A_830, %dma_wait3A_838] : memref<204800x128xf32, #tpu.memory_space<hbm>> -> memref<128x128xf32, #tpu.memory_space<hbm>>
      %dma_wait3A_840 = arith.constant 0 : i32
      %dma_wait3A_841 = arith.constant 0 : i32
      %dma_wait3A_842 = tpu.memref_slice %arg6[%dma_wait3A_831, %dma_wait3A_840, %dma_wait3A_841] : memref<5x128x128xf32, #tpu.memory_space<vmem>> -> memref<1x128x128xf32, #tpu.memory_space<vmem>>
      %dma_wait3A_843 = tpu.memref_squeeze %dma_wait3A_842 : memref<1x128x128xf32, #tpu.memory_space<vmem>> -> memref<128x128xf32, #tpu.memory_space<vmem>>
      tpu.wait_dma2 semaphore(%arg14 : memref<!tpu.dma_semaphore, #tpu.memory_space<semaphore_mem>>) src(%dma_wait3A_843 : memref<128x128xf32, #tpu.memory_space<vmem>>) dst(%dma_wait3A_839 : memref<128x128xf32, #tpu.memory_space<hbm>>)
      %add3A_844 = arith.constant 3 : i32
      %add3A_845 = arith.addi %add3A_824, %add3A_844 : i32
      %dma_start3A_846 = arith.constant 2 : i32
      %dma_start3A_847 = arith.constant 0 : i32
      %dma_start3A_848 = arith.constant 0 : i32
      %dma_start3A_849 = tpu.memref_slice %arg6[%dma_start3A_846, %dma_start3A_847, %dma_start3A_848] : memref<5x128x128xf32, #tpu.memory_space<vmem>> -> memref<1x128x128xf32, #tpu.memory_space<vmem>>
      %dma_start3A_850 = tpu.memref_squeeze %dma_start3A_849 : memref<1x128x128xf32, #tpu.memory_space<vmem>> -> memref<128x128xf32, #tpu.memory_space<vmem>>
      %dma_start3A_851 = arith.constant 0 : i32
      %dma_start3A_852 = tpu.memref_slice %arg5[%add3A_845, %dma_start3A_851] : memref<50x128xi32, #tpu.memory_space<vmem>> -> memref<1x128xi32, #tpu.memory_space<vmem>>
      %dma_start3A_853 = tpu.memref_squeeze %dma_start3A_852 : memref<1x128xi32, #tpu.memory_space<vmem>> -> memref<128xi32, #tpu.memory_space<vmem>>
      %dma_start3A_854 = arith.constant 0 : i32
      %dma_start3A_855 = arith.constant 0 : i32
      %dma_start3A_856 = tpu.memref_slice %arg2[%dma_start3A_854, %dma_start3A_855] : memref<100004x128xf32, #tpu.memory_space<hbm>> -> memref<100004x128xf32, #tpu.memory_space<hbm>>
      tpu.enqueue_indirect_dma source(%dma_start3A_856 : memref<100004x128xf32, #tpu.memory_space<hbm>>) target(%dma_start3A_850 : memref<128x128xf32, #tpu.memory_space<vmem>>) offsets(%dma_start3A_853 : memref<128xi32, #tpu.memory_space<vmem>>) semaphore(%arg9 : memref<!tpu.dma_semaphore, #tpu.memory_space<semaphore_mem>>)
      %dma_wait3A_857 = arith.constant 4 : i32
      %dma_wait3A_858 = arith.constant 0 : i32
      %dma_wait3A_859 = arith.constant 0 : i32
      %dma_wait3A_860 = tpu.memref_slice %arg6[%dma_wait3A_857, %dma_wait3A_858, %dma_wait3A_859] : memref<5x128x128xf32, #tpu.memory_space<vmem>> -> memref<1x128x128xf32, #tpu.memory_space<vmem>>
      %dma_wait3A_861 = tpu.memref_squeeze %dma_wait3A_860 : memref<1x128x128xf32, #tpu.memory_space<vmem>> -> memref<128x128xf32, #tpu.memory_space<vmem>>
      %dma_wait3A_862 = arith.constant 0 : i32
      %dma_wait3A_863 = tpu.memref_slice %arg5[%add3A_824, %dma_wait3A_862] : memref<50x128xi32, #tpu.memory_space<vmem>> -> memref<1x128xi32, #tpu.memory_space<vmem>>
      %dma_wait3A_864 = tpu.memref_squeeze %dma_wait3A_863 : memref<1x128xi32, #tpu.memory_space<vmem>> -> memref<128xi32, #tpu.memory_space<vmem>>
      %dma_wait3A_865 = arith.constant 0 : i32
      %dma_wait3A_866 = arith.constant 0 : i32
      %dma_wait3A_867 = tpu.memref_slice %arg2[%dma_wait3A_865, %dma_wait3A_866] : memref<100004x128xf32, #tpu.memory_space<hbm>> -> memref<100004x128xf32, #tpu.memory_space<hbm>>
      tpu.wait_indirect_dma semaphore(%arg11 : memref<!tpu.dma_semaphore, #tpu.memory_space<semaphore_mem>>) src(%dma_wait3A_867 : memref<100004x128xf32, #tpu.memory_space<hbm>>) dst(%dma_wait3A_861 : memref<128x128xf32, #tpu.memory_space<vmem>>)
      %mul3A_868 = arith.constant 4096 : i32
      %mul3A_869 = arith.muli %add3A_824, %mul3A_868 : i32
      %add3A_870 = arith.addi %mul3A_869, %mul3A_2 : i32
      %multiple_of3A_871 = tpu.assume_multiple %add3A_870, 128 : i32
      %dma_start3A_872 = arith.constant 4 : i32
      %dma_start3A_873 = arith.constant 0 : i32
      %dma_start3A_874 = arith.constant 0 : i32
      %dma_start3A_875 = tpu.memref_slice %arg6[%dma_start3A_872, %dma_start3A_873, %dma_start3A_874] : memref<5x128x128xf32, #tpu.memory_space<vmem>> -> memref<1x128x128xf32, #tpu.memory_space<vmem>>
      %dma_start3A_876 = tpu.memref_squeeze %dma_start3A_875 : memref<1x128x128xf32, #tpu.memory_space<vmem>> -> memref<128x128xf32, #tpu.memory_space<vmem>>
      %dma_start3A_877 = arith.constant 0 : i32
      %dma_start3A_878 = tpu.memref_slice %arg4[%multiple_of3A_871, %dma_start3A_877] : memref<204800x128xf32, #tpu.memory_space<hbm>> -> memref<128x128xf32, #tpu.memory_space<hbm>>
      %dma_start3A_879 = arith.constant 0 : i32
      %dma_start3A_880 = tpu.memref_slice %arg4[%multiple_of3A_871, %dma_start3A_879] : memref<204800x128xf32, #tpu.memory_space<hbm>> -> memref<128x128xf32, #tpu.memory_space<hbm>>
      %dma_start3A_881 = arith.constant 0 : i32
      %dma_start3A_882 = arith.constant 0 : i32
      %dma_start3A_883 = tpu.memref_slice %arg6[%dma_start3A_872, %dma_start3A_881, %dma_start3A_882] : memref<5x128x128xf32, #tpu.memory_space<vmem>> -> memref<1x128x128xf32, #tpu.memory_space<vmem>>
      %dma_start3A_884 = tpu.memref_squeeze %dma_start3A_883 : memref<1x128x128xf32, #tpu.memory_space<vmem>> -> memref<128x128xf32, #tpu.memory_space<vmem>>
      tpu.enqueue_dma source(%dma_start3A_884 : memref<128x128xf32, #tpu.memory_space<vmem>>) target(%dma_start3A_880 : memref<128x128xf32, #tpu.memory_space<hbm>>) target_semaphore(%arg16 : memref<!tpu.dma_semaphore, #tpu.memory_space<semaphore_mem>>)
    }
    %scan3A_288 = arith.constant 8 : i32
    %add3A_289 = arith.constant 176128 : i32
    %add3A_290 = arith.addi %add3A_289, %mul3A_2 : i32
    %multiple_of3A_291 = tpu.assume_multiple %add3A_290, 128 : i32
    %dma_wait3A_292 = arith.constant 3 : i32
    %dma_wait3A_293 = arith.constant 0 : i32
    %dma_wait3A_294 = arith.constant 0 : i32
    %dma_wait3A_295 = tpu.memref_slice %arg6[%dma_wait3A_292, %dma_wait3A_293, %dma_wait3A_294] : memref<5x128x128xf32, #tpu.memory_space<vmem>> -> memref<1x128x128xf32, #tpu.memory_space<vmem>>
    %dma_wait3A_296 = tpu.memref_squeeze %dma_wait3A_295 : memref<1x128x128xf32, #tpu.memory_space<vmem>> -> memref<128x128xf32, #tpu.memory_space<vmem>>
    %dma_wait3A_297 = arith.constant 0 : i32
    %dma_wait3A_298 = tpu.memref_slice %arg4[%multiple_of3A_291, %dma_wait3A_297] : memref<204800x128xf32, #tpu.memory_space<hbm>> -> memref<128x128xf32, #tpu.memory_space<hbm>>
    %dma_wait3A_299 = arith.constant 0 : i32
    %dma_wait3A_300 = tpu.memref_slice %arg4[%multiple_of3A_291, %dma_wait3A_299] : memref<204800x128xf32, #tpu.memory_space<hbm>> -> memref<128x128xf32, #tpu.memory_space<hbm>>
    %dma_wait3A_301 = arith.constant 0 : i32
    %dma_wait3A_302 = arith.constant 0 : i32
    %dma_wait3A_303 = tpu.memref_slice %arg6[%dma_wait3A_292, %dma_wait3A_301, %dma_wait3A_302] : memref<5x128x128xf32, #tpu.memory_space<vmem>> -> memref<1x128x128xf32, #tpu.memory_space<vmem>>
    %dma_wait3A_304 = tpu.memref_squeeze %dma_wait3A_303 : memref<1x128x128xf32, #tpu.memory_space<vmem>> -> memref<128x128xf32, #tpu.memory_space<vmem>>
    tpu.wait_dma2 semaphore(%arg15 : memref<!tpu.dma_semaphore, #tpu.memory_space<semaphore_mem>>) src(%dma_wait3A_304 : memref<128x128xf32, #tpu.memory_space<vmem>>) dst(%dma_wait3A_300 : memref<128x128xf32, #tpu.memory_space<hbm>>)
    %dma_start3A_305 = arith.constant 48 : i32
    %dma_start3A_306 = arith.constant 3 : i32
    %dma_start3A_307 = arith.constant 0 : i32
    %dma_start3A_308 = arith.constant 0 : i32
    %dma_start3A_309 = tpu.memref_slice %arg6[%dma_start3A_306, %dma_start3A_307, %dma_start3A_308] : memref<5x128x128xf32, #tpu.memory_space<vmem>> -> memref<1x128x128xf32, #tpu.memory_space<vmem>>
    %dma_start3A_310 = tpu.memref_squeeze %dma_start3A_309 : memref<1x128x128xf32, #tpu.memory_space<vmem>> -> memref<128x128xf32, #tpu.memory_space<vmem>>
    %dma_start3A_311 = arith.constant 0 : i32
    %dma_start3A_312 = tpu.memref_slice %arg5[%dma_start3A_305, %dma_start3A_311] : memref<50x128xi32, #tpu.memory_space<vmem>> -> memref<1x128xi32, #tpu.memory_space<vmem>>
    %dma_start3A_313 = tpu.memref_squeeze %dma_start3A_312 : memref<1x128xi32, #tpu.memory_space<vmem>> -> memref<128xi32, #tpu.memory_space<vmem>>
    %dma_start3A_314 = arith.constant 0 : i32
    %dma_start3A_315 = arith.constant 0 : i32
    %dma_start3A_316 = tpu.memref_slice %arg2[%dma_start3A_314, %dma_start3A_315] : memref<100004x128xf32, #tpu.memory_space<hbm>> -> memref<100004x128xf32, #tpu.memory_space<hbm>>
    tpu.enqueue_indirect_dma source(%dma_start3A_316 : memref<100004x128xf32, #tpu.memory_space<hbm>>) target(%dma_start3A_310 : memref<128x128xf32, #tpu.memory_space<vmem>>) offsets(%dma_start3A_313 : memref<128xi32, #tpu.memory_space<vmem>>) semaphore(%arg10 : memref<!tpu.dma_semaphore, #tpu.memory_space<semaphore_mem>>)
    %dma_wait3A_317 = arith.constant 45 : i32
    %dma_wait3A_318 = arith.constant 0 : i32
    %dma_wait3A_319 = arith.constant 0 : i32
    %dma_wait3A_320 = arith.constant 0 : i32
    %dma_wait3A_321 = tpu.memref_slice %arg6[%dma_wait3A_318, %dma_wait3A_319, %dma_wait3A_320] : memref<5x128x128xf32, #tpu.memory_space<vmem>> -> memref<1x128x128xf32, #tpu.memory_space<vmem>>
    %dma_wait3A_322 = tpu.memref_squeeze %dma_wait3A_321 : memref<1x128x128xf32, #tpu.memory_space<vmem>> -> memref<128x128xf32, #tpu.memory_space<vmem>>
    %dma_wait3A_323 = arith.constant 0 : i32
    %dma_wait3A_324 = tpu.memref_slice %arg5[%dma_wait3A_317, %dma_wait3A_323] : memref<50x128xi32, #tpu.memory_space<vmem>> -> memref<1x128xi32, #tpu.memory_space<vmem>>
    %dma_wait3A_325 = tpu.memref_squeeze %dma_wait3A_324 : memref<1x128xi32, #tpu.memory_space<vmem>> -> memref<128xi32, #tpu.memory_space<vmem>>
    %dma_wait3A_326 = arith.constant 0 : i32
    %dma_wait3A_327 = arith.constant 0 : i32
    %dma_wait3A_328 = tpu.memref_slice %arg2[%dma_wait3A_326, %dma_wait3A_327] : memref<100004x128xf32, #tpu.memory_space<hbm>> -> memref<100004x128xf32, #tpu.memory_space<hbm>>
    tpu.wait_indirect_dma semaphore(%arg7 : memref<!tpu.dma_semaphore, #tpu.memory_space<semaphore_mem>>) src(%dma_wait3A_328 : memref<100004x128xf32, #tpu.memory_space<hbm>>) dst(%dma_wait3A_322 : memref<128x128xf32, #tpu.memory_space<vmem>>)
    %add3A_329 = arith.constant 184320 : i32
    %add3A_330 = arith.addi %add3A_329, %mul3A_2 : i32
    %multiple_of3A_331 = tpu.assume_multiple %add3A_330, 128 : i32
    %dma_start3A_332 = arith.constant 0 : i32
    %dma_start3A_333 = arith.constant 0 : i32
    %dma_start3A_334 = arith.constant 0 : i32
    %dma_start3A_335 = tpu.memref_slice %arg6[%dma_start3A_332, %dma_start3A_333, %dma_start3A_334] : memref<5x128x128xf32, #tpu.memory_space<vmem>> -> memref<1x128x128xf32, #tpu.memory_space<vmem>>
    %dma_start3A_336 = tpu.memref_squeeze %dma_start3A_335 : memref<1x128x128xf32, #tpu.memory_space<vmem>> -> memref<128x128xf32, #tpu.memory_space<vmem>>
    %dma_start3A_337 = arith.constant 0 : i32
    %dma_start3A_338 = tpu.memref_slice %arg4[%multiple_of3A_331, %dma_start3A_337] : memref<204800x128xf32, #tpu.memory_space<hbm>> -> memref<128x128xf32, #tpu.memory_space<hbm>>
    %dma_start3A_339 = arith.constant 0 : i32
    %dma_start3A_340 = tpu.memref_slice %arg4[%multiple_of3A_331, %dma_start3A_339] : memref<204800x128xf32, #tpu.memory_space<hbm>> -> memref<128x128xf32, #tpu.memory_space<hbm>>
    %dma_start3A_341 = arith.constant 0 : i32
    %dma_start3A_342 = arith.constant 0 : i32
    %dma_start3A_343 = tpu.memref_slice %arg6[%dma_start3A_332, %dma_start3A_341, %dma_start3A_342] : memref<5x128x128xf32, #tpu.memory_space<vmem>> -> memref<1x128x128xf32, #tpu.memory_space<vmem>>
    %dma_start3A_344 = tpu.memref_squeeze %dma_start3A_343 : memref<1x128x128xf32, #tpu.memory_space<vmem>> -> memref<128x128xf32, #tpu.memory_space<vmem>>
    tpu.enqueue_dma source(%dma_start3A_344 : memref<128x128xf32, #tpu.memory_space<vmem>>) target(%dma_start3A_340 : memref<128x128xf32, #tpu.memory_space<hbm>>) target_semaphore(%arg12 : memref<!tpu.dma_semaphore, #tpu.memory_space<semaphore_mem>>)
    %add3A_345 = arith.constant 180224 : i32
    %add3A_346 = arith.addi %add3A_345, %mul3A_2 : i32
    %multiple_of3A_347 = tpu.assume_multiple %add3A_346, 128 : i32
    %dma_wait3A_348 = arith.constant 4 : i32
    %dma_wait3A_349 = arith.constant 0 : i32
    %dma_wait3A_350 = arith.constant 0 : i32
    %dma_wait3A_351 = tpu.memref_slice %arg6[%dma_wait3A_348, %dma_wait3A_349, %dma_wait3A_350] : memref<5x128x128xf32, #tpu.memory_space<vmem>> -> memref<1x128x128xf32, #tpu.memory_space<vmem>>
    %dma_wait3A_352 = tpu.memref_squeeze %dma_wait3A_351 : memref<1x128x128xf32, #tpu.memory_space<vmem>> -> memref<128x128xf32, #tpu.memory_space<vmem>>
    %dma_wait3A_353 = arith.constant 0 : i32
    %dma_wait3A_354 = tpu.memref_slice %arg4[%multiple_of3A_347, %dma_wait3A_353] : memref<204800x128xf32, #tpu.memory_space<hbm>> -> memref<128x128xf32, #tpu.memory_space<hbm>>
    %dma_wait3A_355 = arith.constant 0 : i32
    %dma_wait3A_356 = tpu.memref_slice %arg4[%multiple_of3A_347, %dma_wait3A_355] : memref<204800x128xf32, #tpu.memory_space<hbm>> -> memref<128x128xf32, #tpu.memory_space<hbm>>
    %dma_wait3A_357 = arith.constant 0 : i32
    %dma_wait3A_358 = arith.constant 0 : i32
    %dma_wait3A_359 = tpu.memref_slice %arg6[%dma_wait3A_348, %dma_wait3A_357, %dma_wait3A_358] : memref<5x128x128xf32, #tpu.memory_space<vmem>> -> memref<1x128x128xf32, #tpu.memory_space<vmem>>
    %dma_wait3A_360 = tpu.memref_squeeze %dma_wait3A_359 : memref<1x128x128xf32, #tpu.memory_space<vmem>> -> memref<128x128xf32, #tpu.memory_space<vmem>>
    tpu.wait_dma2 semaphore(%arg16 : memref<!tpu.dma_semaphore, #tpu.memory_space<semaphore_mem>>) src(%dma_wait3A_360 : memref<128x128xf32, #tpu.memory_space<vmem>>) dst(%dma_wait3A_356 : memref<128x128xf32, #tpu.memory_space<hbm>>)
    %dma_start3A_361 = arith.constant 49 : i32
    %dma_start3A_362 = arith.constant 4 : i32
    %dma_start3A_363 = arith.constant 0 : i32
    %dma_start3A_364 = arith.constant 0 : i32
    %dma_start3A_365 = tpu.memref_slice %arg6[%dma_start3A_362, %dma_start3A_363, %dma_start3A_364] : memref<5x128x128xf32, #tpu.memory_space<vmem>> -> memref<1x128x128xf32, #tpu.memory_space<vmem>>
    %dma_start3A_366 = tpu.memref_squeeze %dma_start3A_365 : memref<1x128x128xf32, #tpu.memory_space<vmem>> -> memref<128x128xf32, #tpu.memory_space<vmem>>
    %dma_start3A_367 = arith.constant 0 : i32
    %dma_start3A_368 = tpu.memref_slice %arg5[%dma_start3A_361, %dma_start3A_367] : memref<50x128xi32, #tpu.memory_space<vmem>> -> memref<1x128xi32, #tpu.memory_space<vmem>>
    %dma_start3A_369 = tpu.memref_squeeze %dma_start3A_368 : memref<1x128xi32, #tpu.memory_space<vmem>> -> memref<128xi32, #tpu.memory_space<vmem>>
    %dma_start3A_370 = arith.constant 0 : i32
    %dma_start3A_371 = arith.constant 0 : i32
    %dma_start3A_372 = tpu.memref_slice %arg2[%dma_start3A_370, %dma_start3A_371] : memref<100004x128xf32, #tpu.memory_space<hbm>> -> memref<100004x128xf32, #tpu.memory_space<hbm>>
    tpu.enqueue_indirect_dma source(%dma_start3A_372 : memref<100004x128xf32, #tpu.memory_space<hbm>>) target(%dma_start3A_366 : memref<128x128xf32, #tpu.memory_space<vmem>>) offsets(%dma_start3A_369 : memref<128xi32, #tpu.memory_space<vmem>>) semaphore(%arg11 : memref<!tpu.dma_semaphore, #tpu.memory_space<semaphore_mem>>)
    %dma_wait3A_373 = arith.constant 46 : i32
    %dma_wait3A_374 = arith.constant 1 : i32
    %dma_wait3A_375 = arith.constant 0 : i32
    %dma_wait3A_376 = arith.constant 0 : i32
    %dma_wait3A_377 = tpu.memref_slice %arg6[%dma_wait3A_374, %dma_wait3A_375, %dma_wait3A_376] : memref<5x128x128xf32, #tpu.memory_space<vmem>> -> memref<1x128x128xf32, #tpu.memory_space<vmem>>
    %dma_wait3A_378 = tpu.memref_squeeze %dma_wait3A_377 : memref<1x128x128xf32, #tpu.memory_space<vmem>> -> memref<128x128xf32, #tpu.memory_space<vmem>>
    %dma_wait3A_379 = arith.constant 0 : i32
    %dma_wait3A_380 = tpu.memref_slice %arg5[%dma_wait3A_373, %dma_wait3A_379] : memref<50x128xi32, #tpu.memory_space<vmem>> -> memref<1x128xi32, #tpu.memory_space<vmem>>
    %dma_wait3A_381 = tpu.memref_squeeze %dma_wait3A_380 : memref<1x128xi32, #tpu.memory_space<vmem>> -> memref<128xi32, #tpu.memory_space<vmem>>
    %dma_wait3A_382 = arith.constant 0 : i32
    %dma_wait3A_383 = arith.constant 0 : i32
    %dma_wait3A_384 = tpu.memref_slice %arg2[%dma_wait3A_382, %dma_wait3A_383] : memref<100004x128xf32, #tpu.memory_space<hbm>> -> memref<100004x128xf32, #tpu.memory_space<hbm>>
    tpu.wait_indirect_dma semaphore(%arg8 : memref<!tpu.dma_semaphore, #tpu.memory_space<semaphore_mem>>) src(%dma_wait3A_384 : memref<100004x128xf32, #tpu.memory_space<hbm>>) dst(%dma_wait3A_378 : memref<128x128xf32, #tpu.memory_space<vmem>>)
    %add3A_385 = arith.constant 188416 : i32
    %add3A_386 = arith.addi %add3A_385, %mul3A_2 : i32
    %multiple_of3A_387 = tpu.assume_multiple %add3A_386, 128 : i32
    %dma_start3A_388 = arith.constant 1 : i32
    %dma_start3A_389 = arith.constant 0 : i32
    %dma_start3A_390 = arith.constant 0 : i32
    %dma_start3A_391 = tpu.memref_slice %arg6[%dma_start3A_388, %dma_start3A_389, %dma_start3A_390] : memref<5x128x128xf32, #tpu.memory_space<vmem>> -> memref<1x128x128xf32, #tpu.memory_space<vmem>>
    %dma_start3A_392 = tpu.memref_squeeze %dma_start3A_391 : memref<1x128x128xf32, #tpu.memory_space<vmem>> -> memref<128x128xf32, #tpu.memory_space<vmem>>
    %dma_start3A_393 = arith.constant 0 : i32
    %dma_start3A_394 = tpu.memref_slice %arg4[%multiple_of3A_387, %dma_start3A_393] : memref<204800x128xf32, #tpu.memory_space<hbm>> -> memref<128x128xf32, #tpu.memory_space<hbm>>
    %dma_start3A_395 = arith.constant 0 : i32
    %dma_start3A_396 = tpu.memref_slice %arg4[%multiple_of3A_387, %dma_start3A_395] : memref<204800x128xf32, #tpu.memory_space<hbm>> -> memref<128x128xf32, #tpu.memory_space<hbm>>
    %dma_start3A_397 = arith.constant 0 : i32
    %dma_start3A_398 = arith.constant 0 : i32
    %dma_start3A_399 = tpu.memref_slice %arg6[%dma_start3A_388, %dma_start3A_397, %dma_start3A_398] : memref<5x128x128xf32, #tpu.memory_space<vmem>> -> memref<1x128x128xf32, #tpu.memory_space<vmem>>
    %dma_start3A_400 = tpu.memref_squeeze %dma_start3A_399 : memref<1x128x128xf32, #tpu.memory_space<vmem>> -> memref<128x128xf32, #tpu.memory_space<vmem>>
    tpu.enqueue_dma source(%dma_start3A_400 : memref<128x128xf32, #tpu.memory_space<vmem>>) target(%dma_start3A_396 : memref<128x128xf32, #tpu.memory_space<hbm>>) target_semaphore(%arg13 : memref<!tpu.dma_semaphore, #tpu.memory_space<semaphore_mem>>)
    %add3A_401 = arith.constant 184320 : i32
    %add3A_402 = arith.addi %add3A_401, %mul3A_2 : i32
    %multiple_of3A_403 = tpu.assume_multiple %add3A_402, 128 : i32
    %dma_wait3A_404 = arith.constant 0 : i32
    %dma_wait3A_405 = arith.constant 0 : i32
    %dma_wait3A_406 = arith.constant 0 : i32
    %dma_wait3A_407 = tpu.memref_slice %arg6[%dma_wait3A_404, %dma_wait3A_405, %dma_wait3A_406] : memref<5x128x128xf32, #tpu.memory_space<vmem>> -> memref<1x128x128xf32, #tpu.memory_space<vmem>>
    %dma_wait3A_408 = tpu.memref_squeeze %dma_wait3A_407 : memref<1x128x128xf32, #tpu.memory_space<vmem>> -> memref<128x128xf32, #tpu.memory_space<vmem>>
    %dma_wait3A_409 = arith.constant 0 : i32
    %dma_wait3A_410 = tpu.memref_slice %arg4[%multiple_of3A_403, %dma_wait3A_409] : memref<204800x128xf32, #tpu.memory_space<hbm>> -> memref<128x128xf32, #tpu.memory_space<hbm>>
    %dma_wait3A_411 = arith.constant 0 : i32
    %dma_wait3A_412 = tpu.memref_slice %arg4[%multiple_of3A_403, %dma_wait3A_411] : memref<204800x128xf32, #tpu.memory_space<hbm>> -> memref<128x128xf32, #tpu.memory_space<hbm>>
    %dma_wait3A_413 = arith.constant 0 : i32
    %dma_wait3A_414 = arith.constant 0 : i32
    %dma_wait3A_415 = tpu.memref_slice %arg6[%dma_wait3A_404, %dma_wait3A_413, %dma_wait3A_414] : memref<5x128x128xf32, #tpu.memory_space<vmem>> -> memref<1x128x128xf32, #tpu.memory_space<vmem>>
    %dma_wait3A_416 = tpu.memref_squeeze %dma_wait3A_415 : memref<1x128x128xf32, #tpu.memory_space<vmem>> -> memref<128x128xf32, #tpu.memory_space<vmem>>
    tpu.wait_dma2 semaphore(%arg12 : memref<!tpu.dma_semaphore, #tpu.memory_space<semaphore_mem>>) src(%dma_wait3A_416 : memref<128x128xf32, #tpu.memory_space<vmem>>) dst(%dma_wait3A_412 : memref<128x128xf32, #tpu.memory_space<hbm>>)
    %dma_wait3A_417 = arith.constant 47 : i32
    %dma_wait3A_418 = arith.constant 2 : i32
    %dma_wait3A_419 = arith.constant 0 : i32
    %dma_wait3A_420 = arith.constant 0 : i32
    %dma_wait3A_421 = tpu.memref_slice %arg6[%dma_wait3A_418, %dma_wait3A_419, %dma_wait3A_420] : memref<5x128x128xf32, #tpu.memory_space<vmem>> -> memref<1x128x128xf32, #tpu.memory_space<vmem>>
    %dma_wait3A_422 = tpu.memref_squeeze %dma_wait3A_421 : memref<1x128x128xf32, #tpu.memory_space<vmem>> -> memref<128x128xf32, #tpu.memory_space<vmem>>
    %dma_wait3A_423 = arith.constant 0 : i32
    %dma_wait3A_424 = tpu.memref_slice %arg5[%dma_wait3A_417, %dma_wait3A_423] : memref<50x128xi32, #tpu.memory_space<vmem>> -> memref<1x128xi32, #tpu.memory_space<vmem>>
    %dma_wait3A_425 = tpu.memref_squeeze %dma_wait3A_424 : memref<1x128xi32, #tpu.memory_space<vmem>> -> memref<128xi32, #tpu.memory_space<vmem>>
    %dma_wait3A_426 = arith.constant 0 : i32
    %dma_wait3A_427 = arith.constant 0 : i32
    %dma_wait3A_428 = tpu.memref_slice %arg2[%dma_wait3A_426, %dma_wait3A_427] : memref<100004x128xf32, #tpu.memory_space<hbm>> -> memref<100004x128xf32, #tpu.memory_space<hbm>>
    tpu.wait_indirect_dma semaphore(%arg9 : memref<!tpu.dma_semaphore, #tpu.memory_space<semaphore_mem>>) src(%dma_wait3A_428 : memref<100004x128xf32, #tpu.memory_space<hbm>>) dst(%dma_wait3A_422 : memref<128x128xf32, #tpu.memory_space<vmem>>)
    %add3A_429 = arith.constant 192512 : i32
    %add3A_430 = arith.addi %add3A_429, %mul3A_2 : i32
    %multiple_of3A_431 = tpu.assume_multiple %add3A_430, 128 : i32
    %dma_start3A_432 = arith.constant 2 : i32
    %dma_start3A_433 = arith.constant 0 : i32
    %dma_start3A_434 = arith.constant 0 : i32
    %dma_start3A_435 = tpu.memref_slice %arg6[%dma_start3A_432, %dma_start3A_433, %dma_start3A_434] : memref<5x128x128xf32, #tpu.memory_space<vmem>> -> memref<1x128x128xf32, #tpu.memory_space<vmem>>
    %dma_start3A_436 = tpu.memref_squeeze %dma_start3A_435 : memref<1x128x128xf32, #tpu.memory_space<vmem>> -> memref<128x128xf32, #tpu.memory_space<vmem>>
    %dma_start3A_437 = arith.constant 0 : i32
    %dma_start3A_438 = tpu.memref_slice %arg4[%multiple_of3A_431, %dma_start3A_437] : memref<204800x128xf32, #tpu.memory_space<hbm>> -> memref<128x128xf32, #tpu.memory_space<hbm>>
    %dma_start3A_439 = arith.constant 0 : i32
    %dma_start3A_440 = tpu.memref_slice %arg4[%multiple_of3A_431, %dma_start3A_439] : memref<204800x128xf32, #tpu.memory_space<hbm>> -> memref<128x128xf32, #tpu.memory_space<hbm>>
    %dma_start3A_441 = arith.constant 0 : i32
    %dma_start3A_442 = arith.constant 0 : i32
    %dma_start3A_443 = tpu.memref_slice %arg6[%dma_start3A_432, %dma_start3A_441, %dma_start3A_442] : memref<5x128x128xf32, #tpu.memory_space<vmem>> -> memref<1x128x128xf32, #tpu.memory_space<vmem>>
    %dma_start3A_444 = tpu.memref_squeeze %dma_start3A_443 : memref<1x128x128xf32, #tpu.memory_space<vmem>> -> memref<128x128xf32, #tpu.memory_space<vmem>>
    tpu.enqueue_dma source(%dma_start3A_444 : memref<128x128xf32, #tpu.memory_space<vmem>>) target(%dma_start3A_440 : memref<128x128xf32, #tpu.memory_space<hbm>>) target_semaphore(%arg14 : memref<!tpu.dma_semaphore, #tpu.memory_space<semaphore_mem>>)
    %add3A_445 = arith.constant 188416 : i32
    %add3A_446 = arith.addi %add3A_445, %mul3A_2 : i32
    %multiple_of3A_447 = tpu.assume_multiple %add3A_446, 128 : i32
    %dma_wait3A_448 = arith.constant 1 : i32
    %dma_wait3A_449 = arith.constant 0 : i32
    %dma_wait3A_450 = arith.constant 0 : i32
    %dma_wait3A_451 = tpu.memref_slice %arg6[%dma_wait3A_448, %dma_wait3A_449, %dma_wait3A_450] : memref<5x128x128xf32, #tpu.memory_space<vmem>> -> memref<1x128x128xf32, #tpu.memory_space<vmem>>
    %dma_wait3A_452 = tpu.memref_squeeze %dma_wait3A_451 : memref<1x128x128xf32, #tpu.memory_space<vmem>> -> memref<128x128xf32, #tpu.memory_space<vmem>>
    %dma_wait3A_453 = arith.constant 0 : i32
    %dma_wait3A_454 = tpu.memref_slice %arg4[%multiple_of3A_447, %dma_wait3A_453] : memref<204800x128xf32, #tpu.memory_space<hbm>> -> memref<128x128xf32, #tpu.memory_space<hbm>>
    %dma_wait3A_455 = arith.constant 0 : i32
    %dma_wait3A_456 = tpu.memref_slice %arg4[%multiple_of3A_447, %dma_wait3A_455] : memref<204800x128xf32, #tpu.memory_space<hbm>> -> memref<128x128xf32, #tpu.memory_space<hbm>>
    %dma_wait3A_457 = arith.constant 0 : i32
    %dma_wait3A_458 = arith.constant 0 : i32
    %dma_wait3A_459 = tpu.memref_slice %arg6[%dma_wait3A_448, %dma_wait3A_457, %dma_wait3A_458] : memref<5x128x128xf32, #tpu.memory_space<vmem>> -> memref<1x128x128xf32, #tpu.memory_space<vmem>>
    %dma_wait3A_460 = tpu.memref_squeeze %dma_wait3A_459 : memref<1x128x128xf32, #tpu.memory_space<vmem>> -> memref<128x128xf32, #tpu.memory_space<vmem>>
    tpu.wait_dma2 semaphore(%arg13 : memref<!tpu.dma_semaphore, #tpu.memory_space<semaphore_mem>>) src(%dma_wait3A_460 : memref<128x128xf32, #tpu.memory_space<vmem>>) dst(%dma_wait3A_456 : memref<128x128xf32, #tpu.memory_space<hbm>>)
    %dma_wait3A_461 = arith.constant 48 : i32
    %dma_wait3A_462 = arith.constant 3 : i32
    %dma_wait3A_463 = arith.constant 0 : i32
    %dma_wait3A_464 = arith.constant 0 : i32
    %dma_wait3A_465 = tpu.memref_slice %arg6[%dma_wait3A_462, %dma_wait3A_463, %dma_wait3A_464] : memref<5x128x128xf32, #tpu.memory_space<vmem>> -> memref<1x128x128xf32, #tpu.memory_space<vmem>>
    %dma_wait3A_466 = tpu.memref_squeeze %dma_wait3A_465 : memref<1x128x128xf32, #tpu.memory_space<vmem>> -> memref<128x128xf32, #tpu.memory_space<vmem>>
    %dma_wait3A_467 = arith.constant 0 : i32
    %dma_wait3A_468 = tpu.memref_slice %arg5[%dma_wait3A_461, %dma_wait3A_467] : memref<50x128xi32, #tpu.memory_space<vmem>> -> memref<1x128xi32, #tpu.memory_space<vmem>>
    %dma_wait3A_469 = tpu.memref_squeeze %dma_wait3A_468 : memref<1x128xi32, #tpu.memory_space<vmem>> -> memref<128xi32, #tpu.memory_space<vmem>>
    %dma_wait3A_470 = arith.constant 0 : i32
    %dma_wait3A_471 = arith.constant 0 : i32
    %dma_wait3A_472 = tpu.memref_slice %arg2[%dma_wait3A_470, %dma_wait3A_471] : memref<100004x128xf32, #tpu.memory_space<hbm>> -> memref<100004x128xf32, #tpu.memory_space<hbm>>
    tpu.wait_indirect_dma semaphore(%arg10 : memref<!tpu.dma_semaphore, #tpu.memory_space<semaphore_mem>>) src(%dma_wait3A_472 : memref<100004x128xf32, #tpu.memory_space<hbm>>) dst(%dma_wait3A_466 : memref<128x128xf32, #tpu.memory_space<vmem>>)
    %add3A_473 = arith.constant 196608 : i32
    %add3A_474 = arith.addi %add3A_473, %mul3A_2 : i32
    %multiple_of3A_475 = tpu.assume_multiple %add3A_474, 128 : i32
    %dma_start3A_476 = arith.constant 3 : i32
    %dma_start3A_477 = arith.constant 0 : i32
    %dma_start3A_478 = arith.constant 0 : i32
    %dma_start3A_479 = tpu.memref_slice %arg6[%dma_start3A_476, %dma_start3A_477, %dma_start3A_478] : memref<5x128x128xf32, #tpu.memory_space<vmem>> -> memref<1x128x128xf32, #tpu.memory_space<vmem>>
    %dma_start3A_480 = tpu.memref_squeeze %dma_start3A_479 : memref<1x128x128xf32, #tpu.memory_space<vmem>> -> memref<128x128xf32, #tpu.memory_space<vmem>>
    %dma_start3A_481 = arith.constant 0 : i32
    %dma_start3A_482 = tpu.memref_slice %arg4[%multiple_of3A_475, %dma_start3A_481] : memref<204800x128xf32, #tpu.memory_space<hbm>> -> memref<128x128xf32, #tpu.memory_space<hbm>>
    %dma_start3A_483 = arith.constant 0 : i32
    %dma_start3A_484 = tpu.memref_slice %arg4[%multiple_of3A_475, %dma_start3A_483] : memref<204800x128xf32, #tpu.memory_space<hbm>> -> memref<128x128xf32, #tpu.memory_space<hbm>>
    %dma_start3A_485 = arith.constant 0 : i32
    %dma_start3A_486 = arith.constant 0 : i32
    %dma_start3A_487 = tpu.memref_slice %arg6[%dma_start3A_476, %dma_start3A_485, %dma_start3A_486] : memref<5x128x128xf32, #tpu.memory_space<vmem>> -> memref<1x128x128xf32, #tpu.memory_space<vmem>>
    %dma_start3A_488 = tpu.memref_squeeze %dma_start3A_487 : memref<1x128x128xf32, #tpu.memory_space<vmem>> -> memref<128x128xf32, #tpu.memory_space<vmem>>
    tpu.enqueue_dma source(%dma_start3A_488 : memref<128x128xf32, #tpu.memory_space<vmem>>) target(%dma_start3A_484 : memref<128x128xf32, #tpu.memory_space<hbm>>) target_semaphore(%arg15 : memref<!tpu.dma_semaphore, #tpu.memory_space<semaphore_mem>>)
    %add3A_489 = arith.constant 192512 : i32
    %add3A_490 = arith.addi %add3A_489, %mul3A_2 : i32
    %multiple_of3A_491 = tpu.assume_multiple %add3A_490, 128 : i32
    %dma_wait3A_492 = arith.constant 2 : i32
    %dma_wait3A_493 = arith.constant 0 : i32
    %dma_wait3A_494 = arith.constant 0 : i32
    %dma_wait3A_495 = tpu.memref_slice %arg6[%dma_wait3A_492, %dma_wait3A_493, %dma_wait3A_494] : memref<5x128x128xf32, #tpu.memory_space<vmem>> -> memref<1x128x128xf32, #tpu.memory_space<vmem>>
    %dma_wait3A_496 = tpu.memref_squeeze %dma_wait3A_495 : memref<1x128x128xf32, #tpu.memory_space<vmem>> -> memref<128x128xf32, #tpu.memory_space<vmem>>
    %dma_wait3A_497 = arith.constant 0 : i32
    %dma_wait3A_498 = tpu.memref_slice %arg4[%multiple_of3A_491, %dma_wait3A_497] : memref<204800x128xf32, #tpu.memory_space<hbm>> -> memref<128x128xf32, #tpu.memory_space<hbm>>
    %dma_wait3A_499 = arith.constant 0 : i32
    %dma_wait3A_500 = tpu.memref_slice %arg4[%multiple_of3A_491, %dma_wait3A_499] : memref<204800x128xf32, #tpu.memory_space<hbm>> -> memref<128x128xf32, #tpu.memory_space<hbm>>
    %dma_wait3A_501 = arith.constant 0 : i32
    %dma_wait3A_502 = arith.constant 0 : i32
    %dma_wait3A_503 = tpu.memref_slice %arg6[%dma_wait3A_492, %dma_wait3A_501, %dma_wait3A_502] : memref<5x128x128xf32, #tpu.memory_space<vmem>> -> memref<1x128x128xf32, #tpu.memory_space<vmem>>
    %dma_wait3A_504 = tpu.memref_squeeze %dma_wait3A_503 : memref<1x128x128xf32, #tpu.memory_space<vmem>> -> memref<128x128xf32, #tpu.memory_space<vmem>>
    tpu.wait_dma2 semaphore(%arg14 : memref<!tpu.dma_semaphore, #tpu.memory_space<semaphore_mem>>) src(%dma_wait3A_504 : memref<128x128xf32, #tpu.memory_space<vmem>>) dst(%dma_wait3A_500 : memref<128x128xf32, #tpu.memory_space<hbm>>)
    %dma_wait3A_505 = arith.constant 49 : i32
    %dma_wait3A_506 = arith.constant 4 : i32
    %dma_wait3A_507 = arith.constant 0 : i32
    %dma_wait3A_508 = arith.constant 0 : i32
    %dma_wait3A_509 = tpu.memref_slice %arg6[%dma_wait3A_506, %dma_wait3A_507, %dma_wait3A_508] : memref<5x128x128xf32, #tpu.memory_space<vmem>> -> memref<1x128x128xf32, #tpu.memory_space<vmem>>
    %dma_wait3A_510 = tpu.memref_squeeze %dma_wait3A_509 : memref<1x128x128xf32, #tpu.memory_space<vmem>> -> memref<128x128xf32, #tpu.memory_space<vmem>>
    %dma_wait3A_511 = arith.constant 0 : i32
    %dma_wait3A_512 = tpu.memref_slice %arg5[%dma_wait3A_505, %dma_wait3A_511] : memref<50x128xi32, #tpu.memory_space<vmem>> -> memref<1x128xi32, #tpu.memory_space<vmem>>
    %dma_wait3A_513 = tpu.memref_squeeze %dma_wait3A_512 : memref<1x128xi32, #tpu.memory_space<vmem>> -> memref<128xi32, #tpu.memory_space<vmem>>
    %dma_wait3A_514 = arith.constant 0 : i32
    %dma_wait3A_515 = arith.constant 0 : i32
    %dma_wait3A_516 = tpu.memref_slice %arg2[%dma_wait3A_514, %dma_wait3A_515] : memref<100004x128xf32, #tpu.memory_space<hbm>> -> memref<100004x128xf32, #tpu.memory_space<hbm>>
    tpu.wait_indirect_dma semaphore(%arg11 : memref<!tpu.dma_semaphore, #tpu.memory_space<semaphore_mem>>) src(%dma_wait3A_516 : memref<100004x128xf32, #tpu.memory_space<hbm>>) dst(%dma_wait3A_510 : memref<128x128xf32, #tpu.memory_space<vmem>>)
    %add3A_517 = arith.constant 200704 : i32
    %add3A_518 = arith.addi %add3A_517, %mul3A_2 : i32
    %multiple_of3A_519 = tpu.assume_multiple %add3A_518, 128 : i32
    %dma_start3A_520 = arith.constant 4 : i32
    %dma_start3A_521 = arith.constant 0 : i32
    %dma_start3A_522 = arith.constant 0 : i32
    %dma_start3A_523 = tpu.memref_slice %arg6[%dma_start3A_520, %dma_start3A_521, %dma_start3A_522] : memref<5x128x128xf32, #tpu.memory_space<vmem>> -> memref<1x128x128xf32, #tpu.memory_space<vmem>>
    %dma_start3A_524 = tpu.memref_squeeze %dma_start3A_523 : memref<1x128x128xf32, #tpu.memory_space<vmem>> -> memref<128x128xf32, #tpu.memory_space<vmem>>
    %dma_start3A_525 = arith.constant 0 : i32
    %dma_start3A_526 = tpu.memref_slice %arg4[%multiple_of3A_519, %dma_start3A_525] : memref<204800x128xf32, #tpu.memory_space<hbm>> -> memref<128x128xf32, #tpu.memory_space<hbm>>
    %dma_start3A_527 = arith.constant 0 : i32
    %dma_start3A_528 = tpu.memref_slice %arg4[%multiple_of3A_519, %dma_start3A_527] : memref<204800x128xf32, #tpu.memory_space<hbm>> -> memref<128x128xf32, #tpu.memory_space<hbm>>
    %dma_start3A_529 = arith.constant 0 : i32
    %dma_start3A_530 = arith.constant 0 : i32
    %dma_start3A_531 = tpu.memref_slice %arg6[%dma_start3A_520, %dma_start3A_529, %dma_start3A_530] : memref<5x128x128xf32, #tpu.memory_space<vmem>> -> memref<1x128x128xf32, #tpu.memory_space<vmem>>
    %dma_start3A_532 = tpu.memref_squeeze %dma_start3A_531 : memref<1x128x128xf32, #tpu.memory_space<vmem>> -> memref<128x128xf32, #tpu.memory_space<vmem>>
    tpu.enqueue_dma source(%dma_start3A_532 : memref<128x128xf32, #tpu.memory_space<vmem>>) target(%dma_start3A_528 : memref<128x128xf32, #tpu.memory_space<hbm>>) target_semaphore(%arg16 : memref<!tpu.dma_semaphore, #tpu.memory_space<semaphore_mem>>)
    %add3A_533 = arith.constant 196608 : i32
    %add3A_534 = arith.addi %add3A_533, %mul3A_2 : i32
    %multiple_of3A_535 = tpu.assume_multiple %add3A_534, 128 : i32
    %dma_wait3A_536 = arith.constant 3 : i32
    %dma_wait3A_537 = arith.constant 0 : i32
    %dma_wait3A_538 = arith.constant 0 : i32
    %dma_wait3A_539 = tpu.memref_slice %arg6[%dma_wait3A_536, %dma_wait3A_537, %dma_wait3A_538] : memref<5x128x128xf32, #tpu.memory_space<vmem>> -> memref<1x128x128xf32, #tpu.memory_space<vmem>>
    %dma_wait3A_540 = tpu.memref_squeeze %dma_wait3A_539 : memref<1x128x128xf32, #tpu.memory_space<vmem>> -> memref<128x128xf32, #tpu.memory_space<vmem>>
    %dma_wait3A_541 = arith.constant 0 : i32
    %dma_wait3A_542 = tpu.memref_slice %arg4[%multiple_of3A_535, %dma_wait3A_541] : memref<204800x128xf32, #tpu.memory_space<hbm>> -> memref<128x128xf32, #tpu.memory_space<hbm>>
    %dma_wait3A_543 = arith.constant 0 : i32
    %dma_wait3A_544 = tpu.memref_slice %arg4[%multiple_of3A_535, %dma_wait3A_543] : memref<204800x128xf32, #tpu.memory_space<hbm>> -> memref<128x128xf32, #tpu.memory_space<hbm>>
    %dma_wait3A_545 = arith.constant 0 : i32
    %dma_wait3A_546 = arith.constant 0 : i32
    %dma_wait3A_547 = tpu.memref_slice %arg6[%dma_wait3A_536, %dma_wait3A_545, %dma_wait3A_546] : memref<5x128x128xf32, #tpu.memory_space<vmem>> -> memref<1x128x128xf32, #tpu.memory_space<vmem>>
    %dma_wait3A_548 = tpu.memref_squeeze %dma_wait3A_547 : memref<1x128x128xf32, #tpu.memory_space<vmem>> -> memref<128x128xf32, #tpu.memory_space<vmem>>
    tpu.wait_dma2 semaphore(%arg15 : memref<!tpu.dma_semaphore, #tpu.memory_space<semaphore_mem>>) src(%dma_wait3A_548 : memref<128x128xf32, #tpu.memory_space<vmem>>) dst(%dma_wait3A_544 : memref<128x128xf32, #tpu.memory_space<hbm>>)
    %add3A_549 = arith.constant 200704 : i32
    %add3A_550 = arith.addi %add3A_549, %mul3A_2 : i32
    %multiple_of3A_551 = tpu.assume_multiple %add3A_550, 128 : i32
    %dma_wait3A_552 = arith.constant 4 : i32
    %dma_wait3A_553 = arith.constant 0 : i32
    %dma_wait3A_554 = arith.constant 0 : i32
    %dma_wait3A_555 = tpu.memref_slice %arg6[%dma_wait3A_552, %dma_wait3A_553, %dma_wait3A_554] : memref<5x128x128xf32, #tpu.memory_space<vmem>> -> memref<1x128x128xf32, #tpu.memory_space<vmem>>
    %dma_wait3A_556 = tpu.memref_squeeze %dma_wait3A_555 : memref<1x128x128xf32, #tpu.memory_space<vmem>> -> memref<128x128xf32, #tpu.memory_space<vmem>>
    %dma_wait3A_557 = arith.constant 0 : i32
    %dma_wait3A_558 = tpu.memref_slice %arg4[%multiple_of3A_551, %dma_wait3A_557] : memref<204800x128xf32, #tpu.memory_space<hbm>> -> memref<128x128xf32, #tpu.memory_space<hbm>>
    %dma_wait3A_559 = arith.constant 0 : i32
    %dma_wait3A_560 = tpu.memref_slice %arg4[%multiple_of3A_551, %dma_wait3A_559] : memref<204800x128xf32, #tpu.memory_space<hbm>> -> memref<128x128xf32, #tpu.memory_space<hbm>>
    %dma_wait3A_561 = arith.constant 0 : i32
    %dma_wait3A_562 = arith.constant 0 : i32
    %dma_wait3A_563 = tpu.memref_slice %arg6[%dma_wait3A_552, %dma_wait3A_561, %dma_wait3A_562] : memref<5x128x128xf32, #tpu.memory_space<vmem>> -> memref<1x128x128xf32, #tpu.memory_space<vmem>>
    %dma_wait3A_564 = tpu.memref_squeeze %dma_wait3A_563 : memref<1x128x128xf32, #tpu.memory_space<vmem>> -> memref<128x128xf32, #tpu.memory_space<vmem>>
    tpu.wait_dma2 semaphore(%arg16 : memref<!tpu.dma_semaphore, #tpu.memory_space<semaphore_mem>>) src(%dma_wait3A_564 : memref<128x128xf32, #tpu.memory_space<vmem>>) dst(%dma_wait3A_560 : memref<128x128xf32, #tpu.memory_space<hbm>>)
    return
  }
}

</mosaic_0001>

<sc_bundles>
// kernel: kernel.3.cloned.1.call-start
scs
__scs_entry_jumppad:
0x0: {  	(pc) =	sbr.rel $0x88, $3  }
0x1: {  	(tag) =	ssettag $0x0;
	lr =	simm.s32 $0x1  }
0x2: {  	[smem:$0x3F9F] =	sst lr;
	_ =	strace $0xD0000000  }
0x3: {  	_ = 	snop  }
0x4: {  	_ = 	snop  }
0x5: {  	_ = 	snop  }
0x6: {  	_ = 	snop  }
0x7: {  	_ = 	snop  }
__scs_overlays_trampoline_lowered:
0x8: {  	[smem:$0x3FAE] =	sst s0  }
0x9: {  	[smem:$0x3FAF] =	sst s1  }
0xa: {  	[smem:$0x3FB0] =	sst s2  }
0xb: {  	[smem:$0x3FB1] =	sst s3  }
0xc: {  	[smem:$0x3FB2] =	sst s4  }
0xd: {  	[smem:$0x3FB3] =	sst s5  }
0xe: {  	[smem:$0x3FB4] =	sst s6  }
0xf: {  	[smem:$0x3FB5] =	sst s7  }
0x10: {  	[smem:$0x3FB6] =	sst s8  }
0x11: {  	[smem:$0x3FB7] =	sst s9;
	s0 =	simm.s32 @!p0 $0x0  }
0x12: {  	s1 =	sld [smem:$0x3F9D];
	s0 =	simm.s32 @p0 $0x1  }
0x13: {  	[smem:$0x3FB8] =	sst s0;
	s0 =	simm.s32 @!p1 $0x0  }
0x14: {  	s2 =	sld [smem:$0x3F9C];
	s0 =	simm.s32 @p1 $0x1  }
0x15: {  	[smem:$0x3FB9] =	sst s0;
	s0 =	simm.s32 @!p2 $0x0  }
0x16: {  	s3 =	sld [smem:$0x3FDB];
	s0 =	simm.s32 @p2 $0x1  }
0x17: {  	s4 =	simm.s32 $0x1BF5;
	[smem:$0x3FBB] =	sst s0  }
0x18: {  	s0 =	sld [smem:$0x3F9E];
	_ =	swait.ge [sflag:s4], $0x0  }
0x19: {  	s7 =	sld [smem:$0x3F9F]  }
0x1a: {  	s8 =	sadd.s32 $0xFFFFE003, lr  }
0x1b: {  	s9 =	sadd.s32 $0xFFFFFEF7, lr;
	s5 =	simm.s32 $0xFFFFFFFF;
	p2 =	slt.u32 s8, $0xFFFFF086  }
0x1c: {  	p1 =	slt.u32 s9, $0xF7A;
	s5 =	simm.s32 @!p2 $0x0  }
0x1d: {  	s5 =	simm.s32 @p1 $0x1;
	p0 =	seq.s32 s7, s2  }
0x1e: {  	s7 =	smul.u32 @!p0 $0xF7A, s2;
	p2 =	seq.s32 @!p0 s5, $0x0  }
0x1f: {  	s9 =	smul.u32 $0xF7A, s1;
	s8 =	simm.s32 @!p0 $0x1BF5;
	p2 =	por !p2, p0  }
0x20: {  	[sflag:s8] =	ssyncset.s32 @!p0 $0xFFFFF086;
	s6 =	sadd.s32 @!p0 s3, s7;
	s7 =	simm.s32 @!p0 $0x108  }
0x21: {  	s3 =	sadd.s32 s3, s9;
	s6 =	sadd.s32 @!p0 $0x88, s6;
	s7 =	simm.s32 @p2 $0x1082  }
0x22: {  	[simem:s7], [sflag:s8] =	dma.local @!p0 [hbm:s6], $0xF7A  }
0x23: {  	s9 =	sor.u32 $0xD0000000, s2;
	s6 =	simm.s32 $0x108;
	_ =	swait.ge @!p0 [sflag:s8], $0x0  }
0x24: {  	s3 =	sadd.s32 $0x88, s3;
	s6 =	simm.s32 @!p1 $0x1082;
	[sflag:s4] =	ssyncset.s32 $0xFFFFF086  }
0x25: {  	[simem:s6], [sflag:s4] =	dma.local [hbm:s3], $0xF7A  }
0x26: {  	[smem:$0x3F9F] =	sst s1;
	(tag) =	ssettag s2;
	_ =	strace s9  }
0x27: {  	s1 =	sld [smem:$0x3FAF]  }
0x28: {  	s2 =	sld [smem:$0x3FB0]  }
0x29: {  	s4 =	sld [smem:$0x3FB2]  }
0x2a: {  	p0 =	seq.s32 s5, $0x0;
	s5 =	sld [smem:$0x3FB3]  }
0x2b: {  	s6 =	sld [smem:$0x3FB4]  }
0x2c: {  	s7 =	sld [smem:$0x3FB5]  }
0x2d: {  	s3 =	simm.s32 $0x108;
	s8 =	sld [smem:$0x3FB6]  }
0x2e: {  	s3 =	simm.s32 @!p0 $0x1082;
	s9 =	sld [smem:$0x3FB7]  }
0x2f: {  	lr =	sadd.s32 s0, s3;
	s0 =	sld [smem:$0x3FAE]  }
0x30: {  	s3 =	sld [smem:$0x3FB1]  }
0x31: {  	[smem:$0x3FBA] =	sst s10  }
0x32: {  	s10 =	sld [smem:$0x3FB8];
	_ =	sdelay $0x3  }
0x33: {  	p0 =	seq.s32 s10, $0x1;
	s10 =	sld [smem:$0x3FBA];
	_ =	sdelay $0x3  }
0x34: {  	[smem:$0x3FBA] =	sst s10  }
0x35: {  	s10 =	sld [smem:$0x3FB9];
	_ =	sdelay $0x3  }
0x36: {  	p1 =	seq.s32 s10, $0x1;
	s10 =	sld [smem:$0x3FBA];
	_ =	sdelay $0x3  }
0x37: {  	[smem:$0x3FBA] =	sst s10  }
0x38: {  	s10 =	sld [smem:$0x3FBB]  }
0x39: {  	_ = 	snop;
	(pc) =	sbr.ind lr, $3  }
0x3a: {  	_ = 	snop  }
0x3b: {  	_ = 	snop  }
0x3c: {  	p2 =	seq.s32 s10, $0x1;
	s10 =	sld [smem:$0x3FBA]  }
0x3d: {  	_ =	shalt  }
0x3e: {  	_ =	shalt  }
0x3f: {  	_ =	shalt  }
0x40: {  	_ =	shalt  }
0x41: {  	_ =	shalt  }
0x42: {  	_ =	shalt  }
0x43: {  	_ =	shalt  }
0x44: {  	_ =	shalt  }
0x45: {  	_ =	shalt  }
0x46: {  	_ =	shalt  }
0x47: {  	_ =	shalt  }
0x48: {  	_ =	shalt  }
0x49: {  	_ =	shalt  }
0x4a: {  	_ =	shalt  }
0x4b: {  	_ =	shalt  }
0x4c: {  	_ =	shalt  }
0x4d: {  	_ =	shalt  }
0x4e: {  	_ =	shalt  }
0x4f: {  	_ =	shalt  }
0x50: {  	_ =	shalt  }
0x51: {  	_ =	shalt  }
0x52: {  	_ =	shalt  }
0x53: {  	_ =	shalt  }
0x54: {  	_ =	shalt  }
0x55: {  	_ =	shalt  }
0x56: {  	_ =	shalt  }
0x57: {  	_ =	shalt  }
0x58: {  	_ =	shalt  }
0x59: {  	_ =	shalt  }
0x5a: {  	_ =	shalt  }
0x5b: {  	_ =	shalt  }
0x5c: {  	_ =	shalt  }
0x5d: {  	_ =	shalt  }
0x5e: {  	_ =	shalt  }
0x5f: {  	_ =	shalt  }
0x60: {  	_ =	shalt  }
0x61: {  	_ =	shalt  }
0x62: {  	_ =	shalt  }
0x63: {  	_ =	shalt  }
0x64: {  	_ =	shalt  }
0x65: {  	_ =	shalt  }
0x66: {  	_ =	shalt  }
0x67: {  	_ =	shalt  }
0x68: {  	_ =	shalt  }
0x69: {  	_ =	shalt  }
0x6a: {  	_ =	shalt  }
0x6b: {  	_ =	shalt  }
0x6c: {  	_ =	shalt  }
0x6d: {  	_ =	shalt  }
0x6e: {  	_ =	shalt  }
0x6f: {  	_ =	shalt  }
0x70: {  	_ =	shalt  }
0x71: {  	_ =	shalt  }
0x72: {  	_ =	shalt  }
0x73: {  	_ =	shalt  }
0x74: {  	_ =	shalt  }
0x75: {  	_ =	shalt  }
0x76: {  	_ =	shalt  }
0x77: {  	_ =	shalt  }
0x78: {  	_ =	shalt  }
0x79: {  	_ =	shalt  }
0x7a: {  	_ =	shalt  }
0x7b: {  	_ =	shalt  }
0x7c: {  	_ =	shalt  }
0x7d: {  	_ =	shalt  }
0x7e: {  	_ =	shalt  }
0x7f: {  	_ =	shalt  }
0x80: {  	_ =	shalt  }
0x81: {  	_ =	shalt  }
0x82: {  	_ =	shalt  }
0x83: {  	_ =	shalt  }
0x84: {  	_ =	shalt  }
0x85: {  	_ =	shalt  }
0x86: {  	_ =	shalt  }
0x87: {  	_ =	shalt  }
.Lfunc_end0:
.L_simem_size_0:
called_computation_lowered:
.L_overlay_start_0:
0x88: {  	s2 =	sld [smem:$0x3FD9]  }
0x89: {  	s3 =	sld [smem:$0x3FFE];
	_ =	sdelay $0x1  }
0x8a: {  	s1 =	srdreg.scid  }
0x8b: {  	s0 =	sand.u32 $0x1, s1  }
0x8c: {  	s18 =	sshll.u32 s0, $0xA;
	s2 =	sadd.s32 s3, s2  }
0x8d: {  	s2 =	sadd.s32 s2, s18  }
0x8e: {  	[smem:$0x3FC6] =	sst s2  }
0x8f: {  	_ = 	snop  }
0x90: {  	s2 =	sld [smem:$0x3FC9]  }
0x91: {  	s19 =	sld [smem:$0x3FC8]  }
0x92: {  	s4 =	sld [smem:$0x3FD0];
	(tm) =	ssettm $0x1  }
0x93: {  	s5 =	sld [smem:$0x3FFB];
	_ =	sdelay $0x3  }
0x94: {  	_ =	strace s5  }
0x95: {  	s5 =	sld [smem:$0x3FFC];
	_ =	sdelay $0x3  }
0x96: {  	_ =	strace s5  }
0x97: {  	s5 =	sld [smem:$0x3FFD];
	_ =	sdelay $0x3  }
0x98: {  	_ =	strace s5  }
0x99: {  	_ =	strace $0x8FFFFFFF  }
0x9a: {  	s20 =	sld [smem:$0x3FDB];
	_ =	sdelay $0x1  }
0x9b: {  	s6 =	simm.s32 $_scs_section_size  }
0x9c: {  	s7 =	simm.s32 $_size__tile_overlayer_lowered;
	s8 =	simm.s32 $_tile_overlayer_lowered  }
0x9d: {  	s23 =	simm.s32 $0x1BFF;
	s22 =	sshll.u32 s8, $0x1;
	s5 =	sadd.s32 s6, s20  }
0x9e: {  	s9 =	simm.s32 $0x0;
	s21 =	sshll.u32 s7, $0x1;
	s7 =	sadd.s32 s22, s5  }
0x9f: {  	[timem:s9], [sflag:s23] =	dma.local [hbm:s7], s21  }
0xa0: {  	_ =	swait.ge [sflag:s23], s21  }
0xa1: {  	s6 =	ssub.s32 $0x0, s21;
	[sflag:s23] =	ssyncset.done $0x0  }
0xa2: {  	[sflag:s23] =	ssyncadd.s32 s6;
	_ =	sdelay $0x1  }
0xa3: {  	s24 =	simm.s32 $0x1B8B  }
0xa4: {  	_ =	swait.ge [sflag:s24], $0x1  }
0xa5: {  	[sflag:s24] =	ssyncset.done $0x0  }
0xa6: {  	s25 =	simm.s32 $0x1B8E;
	[sflag:s24] =	ssyncadd.s32 $0xFFFFFFFF  }
0xa7: {  	s26 =	simm.s32 $execute0_lowered;
	[smem:$0x3FD2] =	sst s25  }
0xa8: {  	s6 =	sshll.u32 s26, $0x1;
	_ =	strace $0x80000046;
	[dreg:$0x1] =	wrdreg $0xFFFFFFFF  }
0xa9: {  	s28 =	simm.s32 $_size_execute0_lowered;
	s5 =	sadd.s32 s5, s6;
	[dreg:$0x0] =	wrdreg $0x0  }
0xaa: {  	s6 =	sshll.u32 s28, $0x1;
	[dreg:$0x2] =	wrdreg s5  }
0xab: {  	[dreg:$0x3] =	wrdreg s6  }
0xac: {  	[dreg:$0x4] =	wrdreg $0xC0  }
0xad: {  	_ =	task [dreg:s9], $0x5FFFF  }
0xae: {  	[dreg:$0x1] =	wrdreg $0xFFFFFFFF  }
0xaf: {  	[dreg:$0x0] =	wrdreg $0x60  }
0xb0: {  	[dreg:$0x2] =	wrdreg s19  }
0xb1: {  	[dreg:$0x3] =	wrdreg s2  }
0xb2: {  	[dreg:$0x4] =	wrdreg s4  }
0xb3: {  	[dreg:$0x5] =	wrdreg $0x9  }
0xb4: {  	_ =	task.clear_ibuf [dreg:s9], $0x6FFFF;
	_ =	strace $0x90000046  }
0xb5: {  	s29 =	simm.s32 $0x9;
	_ =	strace $0x80000048  }
0xb6: {  	_ =	swait.ge [sflag:s29], $0x1  }
0xb7: {  	[sflag:s29] =	ssyncadd.s32 $0xFFFFFFFF  }
0xb8: {  	_ =	strace $0x90000048  }
0xb9: {  	_ =	sfence  }
0xba: {  	s30 =	sld [smem:$0x0];
	_ =	sdelay $0x2  }
0xbb: {  	s31 =	sshll.u32 s1, $0xD;
	s1 =	sshrl.u32 s1, $0x2  }
0xbc: {  	s3 =	sand.u32 $0x4000, s31;
	s1 =	sadd.s32 s1, s30  }
0xbd: {  	s0 =	sor.u32 s3, s0;
	s1 =	sshll.u32 s1, $0x11  }
0xbe: {  	s0 =	sor.u32 s1, s0  }
0xbf: {  	s0 =	sadd.s32 $0x8F2B, s0  }
0xc0: {  	[sflag:s0] =	ssyncadd.remote.s32 $0x1  }
0xc1: {  	_ =	sfence.sel $0xFFFF  }
0xc2: {  	[dreg:$0x0] =	wrdreg $0xFFFFFFFF;
	(pc) =	sbr.abs _section_cstart, $3  }
0xc3: {  	[dreg:$0x1] =	wrdreg $0xFFFFFFFF  }
0xc4: {  	_ =	task.clear_ibuf [dreg:s9], $0x2FFFF;
	_ =	strace $0x9FFFFFFF  }
0xc5: {  	(tm) =	ssettm $0x7FFFFFFF  }
tec
execute0_lowered:
.L_overlay_start_1:
0x0: {  	(tag) =	ssettag $0x1  }
0x1: {  	s1 =	rddreg [dreg:$0x0]  }
0x2: {  	s0 =	rddreg [dreg:$0x1]  }
0x3: {  	s2 =	rddreg [dreg:$0x2];
	s3 =	srdreg.scid  }
0x4: {  	s9 =	stileid.u32;
	s29 =	simm.s32 $0xDC00;
	s30 =	simm.s32 $0x1  }
0x5: {  	s18 =	simm.s32 $0x6;
	s28 =	simm.s32 $0x7;
	s31 =	simm.s32 $0x8  }
0x6: {  	s6 =	sand.u32 $0x1, s3;
	s3 =	simm.s32 $0x0;
	s4 =	sshll.u32 s9, $0x8  }
0x7: {  	s26 =	sshll.u32 s9, $0xC;
	s9 =	simm.s32 $0x0;
	s5 =	sshll.u32 s6, $0x7  }
0x8: {  	[smem:$0x7FF] =	sst s3;
	s7 =	ssub.s32 $0x2, s6;
	s6 =	sshll.u32 s6, $0xB  }
0x9: {  	s4 =	sor.u32 s5, s4;
	_ =	strace $0x80000047;
	s8 =	sshrl.u32 s7, $0x1  }
0xa: {  	s5 =	sshll.u32 s4, $0x4;
	s4 =	sadd.s32 s0, s4;
	s19 =	ssub.s32 s7, s8  }
0xb: {  	s0 =	simm.s32 $0x11C00;
	s7 =	simm.s32 $0x9;
	s8 =	simm.s32 $0xA  }
0xc: {  	s5 =	sadd.s32 s2, s5;
	[dreg:$0x4] =	wrdreg s4;
	s4 =	sadd.s32 $0x6000, s4  }
0xd: {  	s2 =	sadd.s32 s26, s2;
	s16 =	smax.u32 s19, $0x1;
	s26 =	simm.s32 $0x9C00  }
0xe: {  	s19 =	simm.s32 $0x4;
	[dreg:$0x5] =	wrdreg s4;
	s20 =	sadd.s32 $0x10000, s5  }
0xf: {  	s21 =	sadd.s32 $0x20000, s5;
	s22 =	sadd.s32 $0x30000, s5;
	[dreg:$0x6] =	wrdreg s20  }
0x10: {  	s23 =	sadd.s32 $0x40000, s5;
	s24 =	sadd.s32 $0x2D0000, s5;
	[dreg:$0x7] =	wrdreg s21  }
0x11: {  	s25 =	sadd.s32 $0x2E0000, s5;
	s13 =	sadd.s32 $0x2F0000, s5;
	[dreg:$0x8] =	wrdreg s22  }
0x12: {  	s14 =	sadd.s32 $0x300000, s5;
	s15 =	sadd.s32 $0x310000, s5;
	[dreg:$0x9] =	wrdreg s23  }
0x13: {  	s2 =	sadd.s32 s6, s2;
	s6 =	simm.s32 $0x5;
	[dreg:$0xa] =	wrdreg s24  }
0x14: {  	[dreg:$0xb] =	wrdreg s25;
	s17 =	sadd.s32 $0x50000, s2;
	s20 =	simm.s32 $0x1800  }
0x15: {  	s21 =	simm.s32 $0xB;
	s22 =	simm.s32 $0x80;
	s23 =	simm.s32 $0x1C00  }
0x16: {  	s24 =	simm.s32 $0x5C00;
	s2 =	simm.s32 $0x2;
	s25 =	simm.s32 $0x3  }
.LBB2_1:
0x17: {  	s4 =	rddreg [dreg:$0x4];
	s10 =	simm.s32 $0x400;
	s11 =	simm.s32 $0x8000  }
0x18: {  	[tilespmem:s3], [sflag:$0xB] =	stream.strided.gather [hbm4b:s4+s10], $0x1800, s11, s10, $0x38;
	[tilespmem:$0x15C00] =	vst v63  }
0x19: {  	s12 =	rddreg [dreg:$0x5]  }
0x1a: {  	[tilespmem:s20], [sflag:$0xB] =	stream.linear.gather [hbm4b:s12+s3], $0x100, $0x38;
	[tilespmem:$0x15C00] =	vst v63  }
0x1b: {  	_ =	swait.ge [sflag:s21], $0x1900  }
0x1c: {  	[sflag:s21] =	ssyncset.done $0x0  }
0x1d: {  	[sflag:s21] =	ssyncadd.s32 $0xFFFFE700  }
0x1e: {  	[tilespmem:s23], [sflag:$0x1] =	stream.indirect.gather [hbm4b:s1+s22], $0x80, s3, s22, $0xb8;
	[tilespmem:$0x15C00] =	vst v63  }
0x1f: {  	_ = 	snop  }
0x20: {  	[tilespmem:s24], [sflag:$0x2] =	stream.indirect.gather [hbm4b:s1+s22], $0x80, s22, s22, $0xb8;
	[tilespmem:$0x15C00] =	vst v63  }
0x21: {  	s10 =	simm.s32 $0x100  }
0x22: {  	[tilespmem:s26], [sflag:$0x3] =	stream.indirect.gather [hbm4b:s1+s22], $0x80, s10, s22, $0xb8;
	[tilespmem:$0x15C00] =	vst v63  }
0x23: {  	s11 =	simm.s32 $0x180  }
0x24: {  	[tilespmem:s29], [sflag:$0x4] =	stream.indirect.gather [hbm4b:s1+s22], $0x80, s11, s22, $0xb8;
	[tilespmem:$0x15C00] =	vst v63  }
0x25: {  	_ =	swait.ge [sflag:s30], $0x4000  }
0x26: {  	[sflag:s30] =	ssyncset.done $0x0  }
0x27: {  	[sflag:s30] =	ssyncadd.s32 $0xFFFFC000  }
0x28: {  	[hbm4b:s5+s3] =	stream.linear.scatter [tilespmem:s23], [sflag:$0x6], $0x4000, $0x38;
	[tilespmem:$0x15C00] =	vst v63  }
0x29: {  	s12 =	simm.s32 $0x200  }
0x2a: {  	[tilespmem:s0], [sflag:$0x5] =	stream.indirect.gather [hbm4b:s1+s22], $0x80, s12, s22, $0xb8;
	[tilespmem:$0x15C00] =	vst v63  }
0x2b: {  	_ =	swait.ge [sflag:s2], $0x4000  }
0x2c: {  	[sflag:s2] =	ssyncset.done $0x0  }
0x2d: {  	s10 =	rddreg [dreg:$0x6];
	[sflag:s2] =	ssyncadd.s32 $0xFFFFC000  }
0x2e: {  	[hbm4b:s10+s3] =	stream.linear.scatter [tilespmem:s24], [sflag:$0x7], $0x4000, $0x38;
	[tilespmem:$0x15C00] =	vst v63  }
0x2f: {  	_ =	swait.ge [sflag:s18], $0x4000  }
0x30: {  	[sflag:s18] =	ssyncset.done $0x0  }
0x31: {  	s11 =	simm.s32 $0x280;
	[sflag:s18] =	ssyncadd.s32 $0xFFFFC000  }
0x32: {  	[tilespmem:s23], [sflag:$0x1] =	stream.indirect.gather [hbm4b:s1+s22], $0x80, s11, s22, $0xb8;
	[tilespmem:$0x15C00] =	vst v63  }
0x33: {  	_ =	swait.ge [sflag:s25], $0x4000  }
0x34: {  	[sflag:s25] =	ssyncset.done $0x0  }
0x35: {  	s12 =	rddreg [dreg:$0x7];
	[sflag:s25] =	ssyncadd.s32 $0xFFFFC000  }
0x36: {  	[hbm4b:s12+s3] =	stream.linear.scatter [tilespmem:s26], [sflag:$0x8], $0x4000, $0x38;
	[tilespmem:$0x15C00] =	vst v63  }
0x37: {  	_ =	swait.ge [sflag:s28], $0x4000  }
0x38: {  	[sflag:s28] =	ssyncset.done $0x0  }
0x39: {  	s10 =	simm.s32 $0x300;
	[sflag:s28] =	ssyncadd.s32 $0xFFFFC000  }
0x3a: {  	[tilespmem:s24], [sflag:$0x2] =	stream.indirect.gather [hbm4b:s1+s22], $0x80, s10, s22, $0xb8;
	[tilespmem:$0x15C00] =	vst v63  }
0x3b: {  	_ =	swait.ge [sflag:s19], $0x4000  }
0x3c: {  	[sflag:s19] =	ssyncset.done $0x0  }
0x3d: {  	s11 =	rddreg [dreg:$0x8];
	[sflag:s19] =	ssyncadd.s32 $0xFFFFC000  }
0x3e: {  	[hbm4b:s11+s3] =	stream.linear.scatter [tilespmem:s29], [sflag:$0x9], $0x4000, $0x38;
	[tilespmem:$0x15C00] =	vst v63  }
0x3f: {  	_ =	swait.ge [sflag:s31], $0x4000  }
0x40: {  	[sflag:s31] =	ssyncset.done $0x0  }
0x41: {  	s12 =	simm.s32 $0x380;
	[sflag:s31] =	ssyncadd.s32 $0xFFFFC000  }
0x42: {  	[tilespmem:s26], [sflag:$0x3] =	stream.indirect.gather [hbm4b:s1+s22], $0x80, s12, s22, $0xb8;
	[tilespmem:$0x15C00] =	vst v63  }
0x43: {  	_ =	swait.ge [sflag:s6], $0x4000  }
0x44: {  	[sflag:s6] =	ssyncset.done $0x0  }
0x45: {  	s10 =	rddreg [dreg:$0x9];
	[sflag:s6] =	ssyncadd.s32 $0xFFFFC000  }
0x46: {  	[hbm4b:s10+s3] =	stream.linear.scatter [tilespmem:s0], [sflag:$0xA], $0x4000, $0x38;
	[tilespmem:$0x15C00] =	vst v63  }
0x47: {  	_ =	swait.ge [sflag:s7], $0x4000  }
0x48: {  	[sflag:s7] =	ssyncset.done $0x0  }
0x49: {  	s11 =	simm.s32 $0x400;
	[sflag:s7] =	ssyncadd.s32 $0xFFFFC000  }
0x4a: {  	[tilespmem:s29], [sflag:$0x4] =	stream.indirect.gather [hbm4b:s1+s22], $0x80, s11, s22, $0xb8;
	[tilespmem:$0x15C00] =	vst v63  }
0x4b: {  	_ =	swait.ge [sflag:s30], $0x4000  }
0x4c: {  	[sflag:s30] =	ssyncset.done $0x0  }
0x4d: {  	[sflag:s30] =	ssyncadd.s32 $0xFFFFC000  }
0x4e: {  	[hbm4b:s17+s3] =	stream.linear.scatter [tilespmem:s23], [sflag:$0x6], $0x4000, $0x38;
	[tilespmem:$0x15C00] =	vst v63  }
0x4f: {  	_ =	swait.ge [sflag:s8], $0x4000  }
0x50: {  	[sflag:s8] =	ssyncset.done $0x0  }
0x51: {  	s12 =	simm.s32 $0x480;
	[sflag:s8] =	ssyncadd.s32 $0xFFFFC000  }
0x52: {  	[tilespmem:s0], [sflag:$0x5] =	stream.indirect.gather [hbm4b:s1+s22], $0x80, s12, s22, $0xb8;
	[tilespmem:$0x15C00] =	vst v63  }
0x53: {  	_ =	swait.ge [sflag:s2], $0x4000  }
0x54: {  	[sflag:s2] =	ssyncset.done $0x0  }
0x55: {  	s4 =	sadd.s32 $0x10000, s17;
	[sflag:s2] =	ssyncadd.s32 $0xFFFFC000  }
0x56: {  	[hbm4b:s4+s3] =	stream.linear.scatter [tilespmem:s24], [sflag:$0x7], $0x4000, $0x38;
	[tilespmem:$0x15C00] =	vst v63  }
0x57: {  	_ =	swait.ge [sflag:s18], $0x4000  }
0x58: {  	[sflag:s18] =	ssyncset.done $0x0  }
0x59: {  	s11 =	simm.s32 $0x500;
	[sflag:s18] =	ssyncadd.s32 $0xFFFFC000  }
0x5a: {  	[tilespmem:s23], [sflag:$0x1] =	stream.indirect.gather [hbm4b:s1+s22], $0x80, s11, s22, $0xb8;
	[tilespmem:$0x15C00] =	vst v63  }
0x5b: {  	_ =	swait.ge [sflag:s25], $0x4000  }
0x5c: {  	[sflag:s25] =	ssyncset.done $0x0  }
0x5d: {  	s12 =	sadd.s32 $0x20000, s17;
	[sflag:s25] =	ssyncadd.s32 $0xFFFFC000  }
0x5e: {  	[hbm4b:s12+s3] =	stream.linear.scatter [tilespmem:s26], [sflag:$0x8], $0x4000, $0x38;
	[tilespmem:$0x15C00] =	vst v63  }
0x5f: {  	_ =	swait.ge [sflag:s28], $0x4000  }
0x60: {  	[sflag:s28] =	ssyncset.done $0x0  }
0x61: {  	s4 =	simm.s32 $0x580;
	[sflag:s28] =	ssyncadd.s32 $0xFFFFC000  }
0x62: {  	[tilespmem:s24], [sflag:$0x2] =	stream.indirect.gather [hbm4b:s1+s22], $0x80, s4, s22, $0xb8;
	[tilespmem:$0x15C00] =	vst v63  }
0x63: {  	_ =	swait.ge [sflag:s19], $0x4000  }
0x64: {  	[sflag:s19] =	ssyncset.done $0x0  }
0x65: {  	s11 =	sadd.s32 $0x30000, s17;
	[sflag:s19] =	ssyncadd.s32 $0xFFFFC000  }
0x66: {  	[hbm4b:s11+s3] =	stream.linear.scatter [tilespmem:s29], [sflag:$0x9], $0x4000, $0x38;
	[tilespmem:$0x15C00] =	vst v63  }
0x67: {  	_ =	swait.ge [sflag:s31], $0x4000  }
0x68: {  	[sflag:s31] =	ssyncset.done $0x0  }
0x69: {  	s12 =	simm.s32 $0x600;
	[sflag:s31] =	ssyncadd.s32 $0xFFFFC000  }
0x6a: {  	[tilespmem:s26], [sflag:$0x3] =	stream.indirect.gather [hbm4b:s1+s22], $0x80, s12, s22, $0xb8;
	[tilespmem:$0x15C00] =	vst v63  }
0x6b: {  	_ =	swait.ge [sflag:s6], $0x4000  }
0x6c: {  	s10 =	simm.s32 $0xA00;
	[sflag:s6] =	ssyncset.done $0x0  }
0x6d: {  	s11 =	sadd.s32 $0x50000, s17;
	s12 =	sadd.s32 $0x40000, s17;
	[sflag:s6] =	ssyncadd.s32 $0xFFFFC000  }
.LBB2_2:
0x6e: {  	[hbm4b:s12+s3] =	stream.linear.scatter [tilespmem:s0], [sflag:$0xA], $0x4000, $0x38;
	[tilespmem:$0x15C00] =	vst v63  }
0x6f: {  	s12 =	smov.u32 s10  }
0x70: {  	p0 =	sne.s32 s10, $0x4600;
	s10 =	sadd.s32 $0xA00, s10;
	_ =	swait.ge [sflag:s7], $0x4000  }
0x71: {  	s12 =	sshra.s32 s12, $0x2;
	[sflag:s7] =	ssyncset.done $0x0  }
0x72: {  	s4 =	sadd.s32 $0x400, s12;
	[sflag:s7] =	ssyncadd.s32 $0xFFFFC000  }
0x73: {  	[tilespmem:s29], [sflag:$0x4] =	stream.indirect.gather [hbm4b:s1+s22], $0x80, s4, s22, $0xb8;
	[tilespmem:$0x15C00] =	vst v63  }
0x74: {  	_ =	swait.ge [sflag:s30], $0x4000  }
0x75: {  	[sflag:s30] =	ssyncset.done $0x0  }
0x76: {  	[sflag:s30] =	ssyncadd.s32 $0xFFFFC000  }
0x77: {  	[hbm4b:s11+s3] =	stream.linear.scatter [tilespmem:s23], [sflag:$0x6], $0x4000, $0x38;
	[tilespmem:$0x15C00] =	vst v63  }
0x78: {  	_ =	swait.ge [sflag:s8], $0x4000  }
0x79: {  	[sflag:s8] =	ssyncset.done $0x0  }
0x7a: {  	s4 =	sadd.s32 $0x480, s12;
	[sflag:s8] =	ssyncadd.s32 $0xFFFFC000  }
0x7b: {  	[tilespmem:s0], [sflag:$0x5] =	stream.indirect.gather [hbm4b:s1+s22], $0x80, s4, s22, $0xb8;
	[tilespmem:$0x15C00] =	vst v63  }
0x7c: {  	_ =	swait.ge [sflag:s2], $0x4000  }
0x7d: {  	[sflag:s2] =	ssyncset.done $0x0  }
0x7e: {  	s4 =	sadd.s32 $0x10000, s11;
	[sflag:s2] =	ssyncadd.s32 $0xFFFFC000  }
0x7f: {  	[hbm4b:s4+s3] =	stream.linear.scatter [tilespmem:s24], [sflag:$0x7], $0x4000, $0x38;
	[tilespmem:$0x15C00] =	vst v63  }
0x80: {  	_ =	swait.ge [sflag:s18], $0x4000  }
0x81: {  	[sflag:s18] =	ssyncset.done $0x0  }
0x82: {  	s4 =	sadd.s32 $0x500, s12;
	[sflag:s18] =	ssyncadd.s32 $0xFFFFC000  }
0x83: {  	[tilespmem:s23], [sflag:$0x1] =	stream.indirect.gather [hbm4b:s1+s22], $0x80, s4, s22, $0xb8;
	[tilespmem:$0x15C00] =	vst v63  }
0x84: {  	_ =	swait.ge [sflag:s25], $0x4000  }
0x85: {  	[sflag:s25] =	ssyncset.done $0x0  }
0x86: {  	s4 =	sadd.s32 $0x20000, s11;
	[sflag:s25] =	ssyncadd.s32 $0xFFFFC000  }
0x87: {  	[hbm4b:s4+s3] =	stream.linear.scatter [tilespmem:s26], [sflag:$0x8], $0x4000, $0x38;
	[tilespmem:$0x15C00] =	vst v63  }
0x88: {  	_ =	swait.ge [sflag:s28], $0x4000  }
0x89: {  	[sflag:s28] =	ssyncset.done $0x0  }
0x8a: {  	s4 =	sadd.s32 $0x580, s12;
	[sflag:s28] =	ssyncadd.s32 $0xFFFFC000  }
0x8b: {  	[tilespmem:s24], [sflag:$0x2] =	stream.indirect.gather [hbm4b:s1+s22], $0x80, s4, s22, $0xb8;
	[tilespmem:$0x15C00] =	vst v63  }
0x8c: {  	_ =	swait.ge [sflag:s19], $0x4000  }
0x8d: {  	[sflag:s19] =	ssyncset.done $0x0  }
0x8e: {  	s4 =	sadd.s32 $0x30000, s11;
	[sflag:s19] =	ssyncadd.s32 $0xFFFFC000  }
0x8f: {  	[hbm4b:s4+s3] =	stream.linear.scatter [tilespmem:s29], [sflag:$0x9], $0x4000, $0x38;
	[tilespmem:$0x15C00] =	vst v63  }
0x90: {  	_ =	swait.ge [sflag:s31], $0x4000  }
0x91: {  	[sflag:s31] =	ssyncset.done $0x0  }
.Ltmp0:
0x92: {  	s4 =	sadd.s32 $0x600, s12;
	[sflag:s31] =	ssyncadd.s32 $0xFFFFC000;
	(pc) =	sbr.rel @p0 .LBB2_2-.Ltmp0, $4  }
0x93: {  	[tilespmem:s26], [sflag:$0x3] =	stream.indirect.gather [hbm4b:s1+s22], $0x80, s4, s22, $0xb8;
	[tilespmem:$0x15C00] =	vst v63  }
0x94: {  	_ =	swait.ge [sflag:s6], $0x4000  }
0x95: {  	[sflag:s6] =	ssyncset.done $0x0  }
0x96: {  	s12 =	sadd.s32 $0x40000, s11;
	s11 =	sadd.s32 $0x50000, s11;
	[sflag:s6] =	ssyncadd.s32 $0xFFFFC000  }
0x97: {  	[hbm4b:s12+s3] =	stream.linear.scatter [tilespmem:s0], [sflag:$0xA], $0x4000, $0x38;
	[tilespmem:$0x15C00] =	vst v63  }
0x98: {  	_ =	swait.ge [sflag:s7], $0x4000  }
0x99: {  	[sflag:s7] =	ssyncset.done $0x0  }
0x9a: {  	[sflag:s7] =	ssyncadd.s32 $0xFFFFC000  }
0x9b: {  	[tilespmem:s29], [sflag:$0x4] =	stream.indirect.gather [hbm4b:s1+s22], $0x80, s20, s22, $0xb8;
	[tilespmem:$0x15C00] =	vst v63  }
0x9c: {  	_ =	swait.ge [sflag:s30], $0x4000  }
0x9d: {  	[sflag:s30] =	ssyncset.done $0x0  }
0x9e: {  	s4 =	rddreg [dreg:$0xa];
	[sflag:s30] =	ssyncadd.s32 $0xFFFFC000  }
0x9f: {  	[hbm4b:s4+s3] =	stream.linear.scatter [tilespmem:s23], [sflag:$0x6], $0x4000, $0x38;
	[tilespmem:$0x15C00] =	vst v63  }
0xa0: {  	_ =	swait.ge [sflag:s8], $0x4000  }
0xa1: {  	[sflag:s8] =	ssyncset.done $0x0  }
0xa2: {  	s11 =	simm.s32 $0x1880;
	[sflag:s8] =	ssyncadd.s32 $0xFFFFC000  }
0xa3: {  	[tilespmem:s0], [sflag:$0x5] =	stream.indirect.gather [hbm4b:s1+s22], $0x80, s11, s22, $0xb8;
	[tilespmem:$0x15C00] =	vst v63  }
0xa4: {  	_ =	swait.ge [sflag:s2], $0x4000  }
0xa5: {  	[sflag:s2] =	ssyncset.done $0x0  }
0xa6: {  	s12 =	rddreg [dreg:$0xb];
	[sflag:s2] =	ssyncadd.s32 $0xFFFFC000  }
0xa7: {  	[hbm4b:s12+s3] =	stream.linear.scatter [tilespmem:s24], [sflag:$0x7], $0x4000, $0x38;
	[tilespmem:$0x15C00] =	vst v63  }
0xa8: {  	_ =	swait.ge [sflag:s18], $0x4000  }
0xa9: {  	[sflag:s18] =	ssyncset.done $0x0  }
0xaa: {  	[sflag:s18] =	ssyncadd.s32 $0xFFFFC000  }
0xab: {  	_ =	swait.ge [sflag:s25], $0x4000  }
0xac: {  	[sflag:s25] =	ssyncset.done $0x0  }
0xad: {  	[sflag:s25] =	ssyncadd.s32 $0xFFFFC000  }
0xae: {  	[hbm4b:s13+s3] =	stream.linear.scatter [tilespmem:s26], [sflag:$0x8], $0x4000, $0x38;
	[tilespmem:$0x15C00] =	vst v63  }
0xaf: {  	_ =	swait.ge [sflag:s28], $0x4000  }
0xb0: {  	[sflag:s28] =	ssyncset.done $0x0  }
0xb1: {  	[sflag:s28] =	ssyncadd.s32 $0xFFFFC000  }
0xb2: {  	_ =	swait.ge [sflag:s19], $0x4000  }
0xb3: {  	[sflag:s19] =	ssyncset.done $0x0  }
0xb4: {  	[sflag:s19] =	ssyncadd.s32 $0xFFFFC000  }
0xb5: {  	[hbm4b:s14+s3] =	stream.linear.scatter [tilespmem:s29], [sflag:$0x9], $0x4000, $0x38;
	[tilespmem:$0x15C00] =	vst v63  }
0xb6: {  	_ =	swait.ge [sflag:s31], $0x4000  }
0xb7: {  	[sflag:s31] =	ssyncset.done $0x0  }
0xb8: {  	[sflag:s31] =	ssyncadd.s32 $0xFFFFC000  }
0xb9: {  	_ =	swait.ge [sflag:s6], $0x4000  }
0xba: {  	[sflag:s6] =	ssyncset.done $0x0  }
0xbb: {  	s9 =	sadd.s32 $0x1, s9;
	[sflag:s6] =	ssyncadd.s32 $0xFFFFC000  }
0xbc: {  	[hbm4b:s15+s3] =	stream.linear.scatter [tilespmem:s0], [sflag:$0xA], $0x4000, $0x38;
	[tilespmem:$0x15C00] =	vst v63  }
0xbd: {  	p0 =	sne.s32 s9, s16;
	_ =	swait.ge [sflag:s7], $0x4000  }
.Ltmp1:
0xbe: {  	[sflag:s7] =	ssyncset.done $0x0;
	(pc) =	sbr.rel @p0 .LBB2_1-.Ltmp1, $4  }
0xbf: {  	[sflag:s7] =	ssyncadd.s32 $0xFFFFC000  }
0xc0: {  	_ =	swait.ge [sflag:s8], $0x4000  }
0xc1: {  	[sflag:s8] =	ssyncset.done $0x0  }
0xc2: {  	[sflag:s8] =	ssyncadd.s32 $0xFFFFC000  }
0xc3: {  	_ =	sfence.sel $0x180000  }
0xc4: {  	[bflag:$0x0] =	sbarrier.arrive $0xFFFF  }
0xc5: {  	_ =	strace $0x90000047  }
0xc6: {  	s0 =	stileid.u32;
	[bflag:$0x2] =	sbarrier.arrive $0xFFFF  }
0xc7: {  	p0 =	sne.s32 s0, $0x0;
	s0 =	rddreg [dreg:$0x3]  }
0xc8: {  	s0 =	sadd.s32 @!p0 $0x100000, s0  }
0xc9: {  	[sflag:s0] =	ssyncadd.tile.s32 @!p0 $0x1;
	_ =	shalt  }
.Lfunc_end2:
_tile_overlayer_lowered:
.L_overlay_start_2:
0xca: {  	(tag) =	ssettag $0x2  }
0xcb: {  	s0 =	rddreg [dreg:$0x0];
	s2 =	stileid.u32  }
0xcc: {  	s1 =	rddreg [dreg:$0x1];
	p0 =	sne.s32 s2, $0x0  }
0xcd: {  	s3 =	rddreg [dreg:$0x2];
	[bflag:$0x3] =	sbarrier.arrive $0xFFFF;
	s2 =	simm.s32 @!p0 $0x1C0B  }
0xce: {  	[timem:s3], [sflag:s2] =	dma.local @!p0 [hbm:s0], s1  }
0xcf: {  	s0 =	simm.s32 @!p0 $0xB  }
0xd0: {  	_ =	swait.ge @!p0 [sflag:s0], s1  }
0xd1: {  	s1 =	ssub.s32 @!p0 $0x0, s1;
	[sflag:s0] =	ssyncset.done @!p0 $0x0  }
0xd2: {  	[sflag:s0] =	ssyncadd.s32 @!p0 s1  }
0xd3: {  	[bflag:$0x3] =	sbarrier.arrive $0xFFFF  }
0xd4: {  	_ =	shalt  }

</sc_bundles>
